<compile_context>
chip_gen: v7x
topology: tpu7x:2x2x1
jax: 0.10.2.dev20260603
libtpu: 0.0.44.dev20260713+nightly
codegen_flags: <defaults>
</compile_context>

<pallas_src>
import functools

import jax
import jax.numpy as jnp
from jax import lax
from jax.experimental import pallas as pl
from jax.experimental.pallas import tpu as pltpu
from jax.experimental.pallas import tpu_sc as plsc

B = 4096
D_IN = 1024
D_HID = 1000
D_OUT = 1000
D_PAD = 1024
BLK = 512
NBLK = B // BLK + 2
NSLOT = NBLK * BLK
NSMALL = 128
NW = 32


def _routing_metadata(question_type_output):
    q = question_type_output
    pred = jnp.argmax(q, axis=1).astype(jnp.int32)
    onehot = (pred[:, None] == jnp.arange(3, dtype=jnp.int32)[None, :])
    ranks = jnp.cumsum(onehot.astype(jnp.int32), axis=0)
    counts = ranks[-1]
    rank = jnp.sum(ranks * onehot, axis=1) - 1

    nb = (counts + BLK - 1) // BLK
    nboff = jnp.concatenate(
        [jnp.zeros((1,), jnp.int32), jnp.cumsum(nb)[:2].astype(jnp.int32)])

    j = jnp.arange(NBLK, dtype=jnp.int32)
    bt = ((j >= nboff[1]).astype(jnp.int32)
          + (j >= nboff[2]).astype(jnp.int32))

    inv = nboff[pred] * BLK + rank
    nbtot = nboff[2] + nb[2]
    av = (j < nbtot).astype(jnp.int32)
    return inv, bt, av


def _sc_dispatch(table, inv2d, rowids, rowids2d):
    d = table.shape[1]
    per_w = NSLOT // NW
    nrow_s = (B // 128) // 16
    sl_per_s = NSLOT // 16
    chunks = [80, 80]
    assert sum(chunks) == per_w
    mesh = plsc.VectorSubcoreMesh(core_axis_name="c", subcore_axis_name="s")

    @functools.partial(
        pl.kernel,
        out_type=jax.ShapeDtypeStruct((NSLOT, d), table.dtype),
        mesh=mesh,
        scratch_types=[
            pltpu.VMEM((nrow_s, 128), jnp.int32),
            pltpu.VMEM((nrow_s, 128), jnp.int32),
            pltpu.VMEM((sl_per_s,), jnp.int32),
            pltpu.VMEM((max(chunks),), jnp.int32),
            pltpu.VMEM((max(chunks), d), table.dtype),
            pltpu.VMEM_SHARED((NSLOT,), jnp.int32),
            pltpu.SemaphoreType.DMA,
        ],
    )
    def k(table_hbm, inv_hbm, rowid_hbm, rowid2_hbm, out_hbm,
          inv_v, rid_v, init_v, idx_v, rows_v, slotmap_sh, sem):
        cid = lax.axis_index("c")
        sid = lax.axis_index("s")
        wid = sid * 2 + cid

        sbase = sid * sl_per_s
        pltpu.sync_copy(rowid_hbm.at[pl.ds(sbase, sl_per_s)], init_v)
        pltpu.sync_copy(init_v, slotmap_sh.at[pl.ds(sbase, sl_per_s)])

        rbase = sid * nrow_s
        pltpu.sync_copy(inv_hbm.at[pl.ds(rbase, nrow_s)], inv_v)
        pltpu.sync_copy(rowid2_hbm.at[pl.ds(rbase, nrow_s)], rid_v)
        for h in range(nrow_s):
            pltpu.sync_copy(rid_v.at[h], slotmap_sh.at[inv_v.at[h]])
        plsc.subcore_barrier()

        base = wid * per_w
        coff = 0
        for ch in chunks:
            off = base + coff
            iv = idx_v.at[pl.ds(0, ch)]
            rv = rows_v.at[pl.ds(0, ch)]
            pltpu.sync_copy(slotmap_sh.at[pl.ds(off, ch)], iv)
            pltpu.async_copy(table_hbm.at[iv], rv, sem).wait()
            pltpu.sync_copy(rv, out_hbm.at[pl.ds(off, ch)])
            coff += ch

    return k(table, inv2d, rowids, rowids2d)


def _sc_gather(table, idx, chunks):
    n, d = idx.shape[0], table.shape[1]
    per_w = n // NW
    assert sum(chunks) == per_w
    cmax = max(chunks)
    mesh = plsc.VectorSubcoreMesh(core_axis_name="c", subcore_axis_name="s")

    @functools.partial(
        pl.kernel,
        out_type=jax.ShapeDtypeStruct((n, d), table.dtype),
        mesh=mesh,
        scratch_types=[
            pltpu.VMEM((cmax,), jnp.int32),
            pltpu.VMEM((cmax, d), table.dtype),
            pltpu.SemaphoreType.DMA,
        ],
    )
    def k(table_hbm, idx_hbm, out_hbm, idx_v, rows_v, sem):
        wid = lax.axis_index("s") * 2 + lax.axis_index("c")
        base = wid * per_w
        coff = 0
        for ch in chunks:
            off = base + coff
            iv = idx_v.at[pl.ds(0, ch)]
            rv = rows_v.at[pl.ds(0, ch)]
            pltpu.sync_copy(idx_hbm.at[pl.ds(off, ch)], iv)
            pltpu.async_copy(table_hbm.at[iv], rv, sem).wait()
            pltpu.sync_copy(rv, out_hbm.at[pl.ds(off, ch)])
            coff += ch

    return k(table, idx)


def _mlp_body(bt_ref, av_ref, x_ref,
              w1a, w1b, w1c, b1a, b1b, b1c,
              w2a, w2b, w2c, b2a, b2b, b2c,
              o_ref, h_ref):
    i = pl.program_id(0)
    t = bt_ref[i]
    active = av_ref[i] == 1

    def do_h(w1, b1):
        def _():
            h_ref[...] = jnp.tanh(
                jnp.dot(x_ref[...], w1[...],
                        preferred_element_type=jnp.float32)
                + b1[...])
        return _

    pl.when(active & (t == 0))(do_h(w1a, b1a))
    pl.when(active & (t == 1))(do_h(w1b, b1b))
    pl.when(active & (t == 2))(do_h(w1c, b1c))

    @pl.when(active & (t == 2))
    def _():
        o_ref[:, :D_OUT] = (
            jnp.dot(h_ref[...], w2c[...],
                    preferred_element_type=jnp.float32) + b2c[...])

    @pl.when(active & (t < 2))
    def _():
        w2s = jnp.where(t == 0, w2a[...], w2b[...])
        b2s = jnp.where(t == 0, b2a[...], b2b[...])
        o_ref[:, :NSMALL] = (
            jnp.dot(h_ref[...], w2s, preferred_element_type=jnp.float32)
            + b2s)
        o_ref[:, NSMALL:D_OUT] = jnp.zeros((BLK, D_OUT - NSMALL), jnp.float32)


def _mlp(bt, av, x_sorted, ws):
    sblock = lambda shape: pl.BlockSpec(shape, lambda i, bt, av: (0,) * len(shape))
    grid_spec = pltpu.PrefetchScalarGridSpec(
        num_scalar_prefetch=2,
        grid=(NBLK,),
        in_specs=[
            pl.BlockSpec((BLK, D_IN), lambda i, bt, av: (i, 0)),
            *[sblock(w.shape) for w in ws],
        ],
        out_specs=pl.BlockSpec((BLK, D_PAD), lambda i, bt, av: (i, 0)),
        scratch_shapes=[pltpu.VMEM((BLK, D_HID), jnp.float32)],
    )
    return pl.pallas_call(
        _mlp_body,
        grid_spec=grid_spec,
        out_shape=jax.ShapeDtypeStruct((NSLOT, D_PAD), jnp.float32),
    )(bt, av, x_sorted, *ws)


def kernel(hidden_states, question_type_output,
           W1_yn, b1_yn, W2_yn, b2_yn,
           W1_num, b1_num, W2_num, b2_num,
           W1_oth, b1_oth, W2_oth, b2_oth):
    inv, bt, av = _routing_metadata(question_type_output)

    rowids = jnp.arange(NSLOT, dtype=jnp.int32) % B
    x_sorted = _sc_dispatch(hidden_states, inv.reshape(B // 128, 128),
                            rowids, rowids[:B].reshape(B // 128, 128))

    def pad_small(w2):
        return jnp.pad(w2, ((0, 0), (0, NSMALL - w2.shape[1])))

    def pad_small_b(b2):
        return jnp.pad(b2, ((0, NSMALL - b2.shape[0]),)).reshape(1, NSMALL)

    ws = [
        W1_yn, W1_num, W1_oth,
        b1_yn.reshape(1, D_HID), b1_num.reshape(1, D_HID),
        b1_oth.reshape(1, D_HID),
        pad_small(W2_yn), pad_small(W2_num), W2_oth,
        pad_small_b(b2_yn), pad_small_b(b2_num), b2_oth.reshape(1, D_OUT),
    ]
    y_sorted = _mlp(bt, av, x_sorted, ws)

    return _sc_gather(y_sorted, inv, chunks=[80, 48])[:, :D_OUT]

# --- scband reference (transcript-rebuilt; emitter-appended) ---
"""Pipeline reference for scband-vqa-header-52931176956321 (READ-ONLY COPY).

The authoritative reference and input builder live on the scoring server;
editing this copy changes nothing except your own understanding.
"""

import jax, jax.numpy as jnp
import numpy as np

B = 4096
D_IN = 1024
D_HID = 1000
NS = [2, 100, 1000]
MAX_N = max(NS)


def setup_inputs(seed: int = 0):
    key = jax.random.key(seed)
    ks = jax.random.split(key, 14)
    inp = {}
    inp["hidden_states"] = jax.random.normal(ks[0], (B, D_IN), dtype=jnp.float32)
    inp["question_type_output"] = jax.random.normal(ks[1], (B, 3), dtype=jnp.float32)
    names = ["yn", "num", "oth"]
    for i, (nm, n_out) in enumerate(zip(names, NS)):
        inp["W1_" + nm] = jax.random.normal(ks[2 + 4 * i], (D_IN, D_HID), dtype=jnp.float32) * 0.02
        inp["b1_" + nm] = jnp.zeros((D_HID,), dtype=jnp.float32)
        inp["W2_" + nm] = jax.random.normal(ks[3 + 4 * i], (D_HID, n_out), dtype=jnp.float32) * 0.02
        inp["b2_" + nm] = jnp.zeros((n_out,), dtype=jnp.float32)
    return inp


def _head(x, W1, b1, W2, b2):
    # Linear(1024->1000) -> Dropout(eval: identity) -> Tanh -> Linear(1000->n_out)
    h = jnp.tanh(x @ W1 + b1)
    return h @ W2 + b2


def _forward(hidden_states, question_type_output, params):
    # torch.max(question_type_output, 1) -> argmax indices used to route each sample
    pred = jnp.argmax(question_type_output, axis=1)
    outs = []
    for (W1, b1, W2, b2) in params:
        o = _head(hidden_states, W1, b1, W2, b2)
        o = jnp.pad(o, ((0, 0), (0, MAX_N - o.shape[1])))  # holder_answers zero padding
        outs.append(o)
    sel = jnp.where((pred == 0)[:, None], outs[0],
                    jnp.where((pred == 1)[:, None], outs[1], outs[2]))
    return sel


def reference(hidden_states, question_type_output, W1_yn, b1_yn, W2_yn, b2_yn, W1_num, b1_num, W2_num, b2_num, W1_oth, b1_oth, W2_oth, b2_oth):
    params = [
        (W1_yn, b1_yn, W2_yn, b2_yn),
        (W1_num, b1_num, W2_num, b2_num),
        (W1_oth, b1_oth, W2_oth, b2_oth),
    ]
    return _forward(hidden_states, question_type_output, params)

if __name__ == "__main__":
    import jax
    _d = setup_inputs()
    print(jax.jit(kernel)(*tuple(_d.values())))

</pallas_src>

<mosaic_0001>
#map = affine_map<(d0, d1) -> (0, 0)>
#map1 = affine_map<(d0, d1) -> (0)>
module attributes {stable_mosaic.version = 14 : i64} {
  func.func @k(%arg0: i32, %arg1: i32, %arg2: memref<5120x1024xf32, #tpu.memory_space<hbm>>, %arg3: memref<4096xi32, #tpu.memory_space<hbm>>, %arg4: memref<4096x1024xf32, #tpu.memory_space<hbm>>, %arg5: memref<80xi32, #tpu.memory_space<vmem>>, %arg6: memref<80x1024xf32, #tpu.memory_space<vmem>>, %arg7: memref<!tpu.dma_semaphore, #tpu.memory_space<semaphore_mem>>) attributes {dimension_semantics = [#tpu.dimension_semantics<core_parallel>, #tpu.dimension_semantics<subcore_parallel>], iteration_bounds = array<i64: 2, 16>, scalar_prefetch = 0 : i64, scratch_operands = 3 : i64, tpu.core_type = #tpu.core_type<sc_vector_subcore>, window_params = [{transform_indices = #map}, {transform_indices = #map1}, {transform_indices = #map}]} {
    %mul3A = arith.constant 2 : i32
    %mul3A_0 = arith.muli %arg1, %mul3A : i32
    %add3A = arith.addi %mul3A_0, %arg0 : i32
    %mul3A_1 = arith.constant 128 : i32
    %mul3A_2 = arith.muli %add3A, %mul3A_1 : i32
    %add3A_3 = arith.constant 0 : i32
    %add3A_4 = arith.addi %mul3A_2, %add3A_3 : i32
    "tpu.region"() ({
      %run_scoped3A = tpu.sem_alloc : memref<!tpu.dma_semaphore, #tpu.memory_space<semaphore_mem>>
      %dma_start3A_37 = arith.constant 0 : i32
      %dma_start3A_38 = tpu.memref_slice %arg5[%dma_start3A_37] : memref<80xi32, #tpu.memory_space<vmem>> -> memref<80xi32, #tpu.memory_space<vmem>>
      %dma_start3A_39 = tpu.memref_slice %arg3[%add3A_4] : memref<4096xi32, #tpu.memory_space<hbm>> -> memref<80xi32, #tpu.memory_space<hbm>>
      %dma_start3A_40 = arith.constant 0 : i32
      %dma_start3A_41 = tpu.memref_slice %arg5[%dma_start3A_40] : memref<80xi32, #tpu.memory_space<vmem>> -> memref<80xi32, #tpu.memory_space<vmem>>
      %dma_start3A_42 = tpu.memref_slice %arg3[%add3A_4] : memref<4096xi32, #tpu.memory_space<hbm>> -> memref<80xi32, #tpu.memory_space<hbm>>
      tpu.enqueue_dma source(%dma_start3A_42 : memref<80xi32, #tpu.memory_space<hbm>>) target(%dma_start3A_41 : memref<80xi32, #tpu.memory_space<vmem>>) target_semaphore(%run_scoped3A : memref<!tpu.dma_semaphore, #tpu.memory_space<semaphore_mem>>)
      %dma_wait3A_43 = arith.constant 0 : i32
      %dma_wait3A_44 = tpu.memref_slice %arg5[%dma_wait3A_43] : memref<80xi32, #tpu.memory_space<vmem>> -> memref<80xi32, #tpu.memory_space<vmem>>
      %dma_wait3A_45 = tpu.memref_slice %arg3[%add3A_4] : memref<4096xi32, #tpu.memory_space<hbm>> -> memref<80xi32, #tpu.memory_space<hbm>>
      %dma_wait3A_46 = arith.constant 0 : i32
      %dma_wait3A_47 = tpu.memref_slice %arg5[%dma_wait3A_46] : memref<80xi32, #tpu.memory_space<vmem>> -> memref<80xi32, #tpu.memory_space<vmem>>
      %dma_wait3A_48 = tpu.memref_slice %arg3[%add3A_4] : memref<4096xi32, #tpu.memory_space<hbm>> -> memref<80xi32, #tpu.memory_space<hbm>>
      tpu.wait_dma2 semaphore(%run_scoped3A : memref<!tpu.dma_semaphore, #tpu.memory_space<semaphore_mem>>) src(%dma_wait3A_48 : memref<80xi32, #tpu.memory_space<hbm>>) dst(%dma_wait3A_47 : memref<80xi32, #tpu.memory_space<vmem>>)
      tpu.yield
    }) : () -> ()
    %dma_start3A = arith.constant 0 : i32
    %dma_start3A_5 = arith.constant 0 : i32
    %dma_start3A_6 = tpu.memref_slice %arg6[%dma_start3A, %dma_start3A_5] : memref<80x1024xf32, #tpu.memory_space<vmem>> -> memref<80x1024xf32, #tpu.memory_space<vmem>>
    %dma_start3A_7 = arith.constant 0 : i32
    %dma_start3A_8 = tpu.memref_slice %arg5[%dma_start3A_7] : memref<80xi32, #tpu.memory_space<vmem>> -> memref<80xi32, #tpu.memory_space<vmem>>
    %dma_start3A_9 = arith.constant 0 : i32
    %dma_start3A_10 = arith.constant 0 : i32
    %dma_start3A_11 = tpu.memref_slice %arg2[%dma_start3A_9, %dma_start3A_10] : memref<5120x1024xf32, #tpu.memory_space<hbm>> -> memref<5120x1024xf32, #tpu.memory_space<hbm>>
    tpu.enqueue_indirect_dma source(%dma_start3A_11 : memref<5120x1024xf32, #tpu.memory_space<hbm>>) target(%dma_start3A_6 : memref<80x1024xf32, #tpu.memory_space<vmem>>) offsets(%dma_start3A_8 : memref<80xi32, #tpu.memory_space<vmem>>) semaphore(%arg7 : memref<!tpu.dma_semaphore, #tpu.memory_space<semaphore_mem>>)
    %dma_wait3A = arith.constant 0 : i32
    %dma_wait3A_12 = arith.constant 0 : i32
    %dma_wait3A_13 = tpu.memref_slice %arg6[%dma_wait3A, %dma_wait3A_12] : memref<80x1024xf32, #tpu.memory_space<vmem>> -> memref<80x1024xf32, #tpu.memory_space<vmem>>
    %dma_wait3A_14 = arith.constant 0 : i32
    %dma_wait3A_15 = tpu.memref_slice %arg5[%dma_wait3A_14] : memref<80xi32, #tpu.memory_space<vmem>> -> memref<80xi32, #tpu.memory_space<vmem>>
    %dma_wait3A_16 = arith.constant 0 : i32
    %dma_wait3A_17 = arith.constant 0 : i32
    %dma_wait3A_18 = tpu.memref_slice %arg2[%dma_wait3A_16, %dma_wait3A_17] : memref<5120x1024xf32, #tpu.memory_space<hbm>> -> memref<5120x1024xf32, #tpu.memory_space<hbm>>
    tpu.wait_indirect_dma semaphore(%arg7 : memref<!tpu.dma_semaphore, #tpu.memory_space<semaphore_mem>>) src(%dma_wait3A_18 : memref<5120x1024xf32, #tpu.memory_space<hbm>>) dst(%dma_wait3A_13 : memref<80x1024xf32, #tpu.memory_space<vmem>>)
    "tpu.region"() ({
      %run_scoped3A = tpu.sem_alloc : memref<!tpu.dma_semaphore, #tpu.memory_space<semaphore_mem>>
      %dma_start3A_37 = arith.constant 0 : i32
      %dma_start3A_38 = arith.constant 0 : i32
      %dma_start3A_39 = tpu.memref_slice %arg6[%dma_start3A_37, %dma_start3A_38] : memref<80x1024xf32, #tpu.memory_space<vmem>> -> memref<80x1024xf32, #tpu.memory_space<vmem>>
      %dma_start3A_40 = arith.constant 0 : i32
      %dma_start3A_41 = tpu.memref_slice %arg4[%add3A_4, %dma_start3A_40] : memref<4096x1024xf32, #tpu.memory_space<hbm>> -> memref<80x1024xf32, #tpu.memory_space<hbm>>
      %dma_start3A_42 = arith.constant 0 : i32
      %dma_start3A_43 = tpu.memref_slice %arg4[%add3A_4, %dma_start3A_42] : memref<4096x1024xf32, #tpu.memory_space<hbm>> -> memref<80x1024xf32, #tpu.memory_space<hbm>>
      %dma_start3A_44 = arith.constant 0 : i32
      %dma_start3A_45 = arith.constant 0 : i32
      %dma_start3A_46 = tpu.memref_slice %arg6[%dma_start3A_44, %dma_start3A_45] : memref<80x1024xf32, #tpu.memory_space<vmem>> -> memref<80x1024xf32, #tpu.memory_space<vmem>>
      tpu.enqueue_dma source(%dma_start3A_46 : memref<80x1024xf32, #tpu.memory_space<vmem>>) target(%dma_start3A_43 : memref<80x1024xf32, #tpu.memory_space<hbm>>) target_semaphore(%run_scoped3A : memref<!tpu.dma_semaphore, #tpu.memory_space<semaphore_mem>>)
      %dma_wait3A_47 = arith.constant 0 : i32
      %dma_wait3A_48 = arith.constant 0 : i32
      %dma_wait3A_49 = tpu.memref_slice %arg6[%dma_wait3A_47, %dma_wait3A_48] : memref<80x1024xf32, #tpu.memory_space<vmem>> -> memref<80x1024xf32, #tpu.memory_space<vmem>>
      %dma_wait3A_50 = arith.constant 0 : i32
      %dma_wait3A_51 = tpu.memref_slice %arg4[%add3A_4, %dma_wait3A_50] : memref<4096x1024xf32, #tpu.memory_space<hbm>> -> memref<80x1024xf32, #tpu.memory_space<hbm>>
      %dma_wait3A_52 = arith.constant 0 : i32
      %dma_wait3A_53 = tpu.memref_slice %arg4[%add3A_4, %dma_wait3A_52] : memref<4096x1024xf32, #tpu.memory_space<hbm>> -> memref<80x1024xf32, #tpu.memory_space<hbm>>
      %dma_wait3A_54 = arith.constant 0 : i32
      %dma_wait3A_55 = arith.constant 0 : i32
      %dma_wait3A_56 = tpu.memref_slice %arg6[%dma_wait3A_54, %dma_wait3A_55] : memref<80x1024xf32, #tpu.memory_space<vmem>> -> memref<80x1024xf32, #tpu.memory_space<vmem>>
      tpu.wait_dma2 semaphore(%run_scoped3A : memref<!tpu.dma_semaphore, #tpu.memory_space<semaphore_mem>>) src(%dma_wait3A_56 : memref<80x1024xf32, #tpu.memory_space<vmem>>) dst(%dma_wait3A_53 : memref<80x1024xf32, #tpu.memory_space<hbm>>)
      tpu.yield
    }) : () -> ()
    %add3A_19 = arith.constant 80 : i32
    %add3A_20 = arith.addi %mul3A_2, %add3A_19 : i32
    "tpu.region"() ({
      %run_scoped3A = tpu.sem_alloc : memref<!tpu.dma_semaphore, #tpu.memory_space<semaphore_mem>>
      %dma_start3A_37 = arith.constant 0 : i32
      %dma_start3A_38 = tpu.memref_slice %arg5[%dma_start3A_37] : memref<80xi32, #tpu.memory_space<vmem>> -> memref<48xi32, #tpu.memory_space<vmem>>
      %dma_start3A_39 = tpu.memref_slice %arg3[%add3A_20] : memref<4096xi32, #tpu.memory_space<hbm>> -> memref<48xi32, #tpu.memory_space<hbm>>
      %dma_start3A_40 = arith.constant 0 : i32
      %dma_start3A_41 = tpu.memref_slice %arg5[%dma_start3A_40] : memref<80xi32, #tpu.memory_space<vmem>> -> memref<48xi32, #tpu.memory_space<vmem>>
      %dma_start3A_42 = tpu.memref_slice %arg3[%add3A_20] : memref<4096xi32, #tpu.memory_space<hbm>> -> memref<48xi32, #tpu.memory_space<hbm>>
      tpu.enqueue_dma source(%dma_start3A_42 : memref<48xi32, #tpu.memory_space<hbm>>) target(%dma_start3A_41 : memref<48xi32, #tpu.memory_space<vmem>>) target_semaphore(%run_scoped3A : memref<!tpu.dma_semaphore, #tpu.memory_space<semaphore_mem>>)
      %dma_wait3A_43 = arith.constant 0 : i32
      %dma_wait3A_44 = tpu.memref_slice %arg5[%dma_wait3A_43] : memref<80xi32, #tpu.memory_space<vmem>> -> memref<48xi32, #tpu.memory_space<vmem>>
      %dma_wait3A_45 = tpu.memref_slice %arg3[%add3A_20] : memref<4096xi32, #tpu.memory_space<hbm>> -> memref<48xi32, #tpu.memory_space<hbm>>
      %dma_wait3A_46 = arith.constant 0 : i32
      %dma_wait3A_47 = tpu.memref_slice %arg5[%dma_wait3A_46] : memref<80xi32, #tpu.memory_space<vmem>> -> memref<48xi32, #tpu.memory_space<vmem>>
      %dma_wait3A_48 = tpu.memref_slice %arg3[%add3A_20] : memref<4096xi32, #tpu.memory_space<hbm>> -> memref<48xi32, #tpu.memory_space<hbm>>
      tpu.wait_dma2 semaphore(%run_scoped3A : memref<!tpu.dma_semaphore, #tpu.memory_space<semaphore_mem>>) src(%dma_wait3A_48 : memref<48xi32, #tpu.memory_space<hbm>>) dst(%dma_wait3A_47 : memref<48xi32, #tpu.memory_space<vmem>>)
      tpu.yield
    }) : () -> ()
    %dma_start3A_21 = arith.constant 0 : i32
    %dma_start3A_22 = arith.constant 0 : i32
    %dma_start3A_23 = tpu.memref_slice %arg6[%dma_start3A_21, %dma_start3A_22] : memref<80x1024xf32, #tpu.memory_space<vmem>> -> memref<48x1024xf32, #tpu.memory_space<vmem>>
    %dma_start3A_24 = arith.constant 0 : i32
    %dma_start3A_25 = tpu.memref_slice %arg5[%dma_start3A_24] : memref<80xi32, #tpu.memory_space<vmem>> -> memref<48xi32, #tpu.memory_space<vmem>>
    %dma_start3A_26 = arith.constant 0 : i32
    %dma_start3A_27 = arith.constant 0 : i32
    %dma_start3A_28 = tpu.memref_slice %arg2[%dma_start3A_26, %dma_start3A_27] : memref<5120x1024xf32, #tpu.memory_space<hbm>> -> memref<5120x1024xf32, #tpu.memory_space<hbm>>
    tpu.enqueue_indirect_dma source(%dma_start3A_28 : memref<5120x1024xf32, #tpu.memory_space<hbm>>) target(%dma_start3A_23 : memref<48x1024xf32, #tpu.memory_space<vmem>>) offsets(%dma_start3A_25 : memref<48xi32, #tpu.memory_space<vmem>>) semaphore(%arg7 : memref<!tpu.dma_semaphore, #tpu.memory_space<semaphore_mem>>)
    %dma_wait3A_29 = arith.constant 0 : i32
    %dma_wait3A_30 = arith.constant 0 : i32
    %dma_wait3A_31 = tpu.memref_slice %arg6[%dma_wait3A_29, %dma_wait3A_30] : memref<80x1024xf32, #tpu.memory_space<vmem>> -> memref<48x1024xf32, #tpu.memory_space<vmem>>
    %dma_wait3A_32 = arith.constant 0 : i32
    %dma_wait3A_33 = tpu.memref_slice %arg5[%dma_wait3A_32] : memref<80xi32, #tpu.memory_space<vmem>> -> memref<48xi32, #tpu.memory_space<vmem>>
    %dma_wait3A_34 = arith.constant 0 : i32
    %dma_wait3A_35 = arith.constant 0 : i32
    %dma_wait3A_36 = tpu.memref_slice %arg2[%dma_wait3A_34, %dma_wait3A_35] : memref<5120x1024xf32, #tpu.memory_space<hbm>> -> memref<5120x1024xf32, #tpu.memory_space<hbm>>
    tpu.wait_indirect_dma semaphore(%arg7 : memref<!tpu.dma_semaphore, #tpu.memory_space<semaphore_mem>>) src(%dma_wait3A_36 : memref<5120x1024xf32, #tpu.memory_space<hbm>>) dst(%dma_wait3A_31 : memref<48x1024xf32, #tpu.memory_space<vmem>>)
    "tpu.region"() ({
      %run_scoped3A = tpu.sem_alloc : memref<!tpu.dma_semaphore, #tpu.memory_space<semaphore_mem>>
      %dma_start3A_37 = arith.constant 0 : i32
      %dma_start3A_38 = arith.constant 0 : i32
      %dma_start3A_39 = tpu.memref_slice %arg6[%dma_start3A_37, %dma_start3A_38] : memref<80x1024xf32, #tpu.memory_space<vmem>> -> memref<48x1024xf32, #tpu.memory_space<vmem>>
      %dma_start3A_40 = arith.constant 0 : i32
      %dma_start3A_41 = tpu.memref_slice %arg4[%add3A_20, %dma_start3A_40] : memref<4096x1024xf32, #tpu.memory_space<hbm>> -> memref<48x1024xf32, #tpu.memory_space<hbm>>
      %dma_start3A_42 = arith.constant 0 : i32
      %dma_start3A_43 = tpu.memref_slice %arg4[%add3A_20, %dma_start3A_42] : memref<4096x1024xf32, #tpu.memory_space<hbm>> -> memref<48x1024xf32, #tpu.memory_space<hbm>>
      %dma_start3A_44 = arith.constant 0 : i32
      %dma_start3A_45 = arith.constant 0 : i32
      %dma_start3A_46 = tpu.memref_slice %arg6[%dma_start3A_44, %dma_start3A_45] : memref<80x1024xf32, #tpu.memory_space<vmem>> -> memref<48x1024xf32, #tpu.memory_space<vmem>>
      tpu.enqueue_dma source(%dma_start3A_46 : memref<48x1024xf32, #tpu.memory_space<vmem>>) target(%dma_start3A_43 : memref<48x1024xf32, #tpu.memory_space<hbm>>) target_semaphore(%run_scoped3A : memref<!tpu.dma_semaphore, #tpu.memory_space<semaphore_mem>>)
      %dma_wait3A_47 = arith.constant 0 : i32
      %dma_wait3A_48 = arith.constant 0 : i32
      %dma_wait3A_49 = tpu.memref_slice %arg6[%dma_wait3A_47, %dma_wait3A_48] : memref<80x1024xf32, #tpu.memory_space<vmem>> -> memref<48x1024xf32, #tpu.memory_space<vmem>>
      %dma_wait3A_50 = arith.constant 0 : i32
      %dma_wait3A_51 = tpu.memref_slice %arg4[%add3A_20, %dma_wait3A_50] : memref<4096x1024xf32, #tpu.memory_space<hbm>> -> memref<48x1024xf32, #tpu.memory_space<hbm>>
      %dma_wait3A_52 = arith.constant 0 : i32
      %dma_wait3A_53 = tpu.memref_slice %arg4[%add3A_20, %dma_wait3A_52] : memref<4096x1024xf32, #tpu.memory_space<hbm>> -> memref<48x1024xf32, #tpu.memory_space<hbm>>
      %dma_wait3A_54 = arith.constant 0 : i32
      %dma_wait3A_55 = arith.constant 0 : i32
      %dma_wait3A_56 = tpu.memref_slice %arg6[%dma_wait3A_54, %dma_wait3A_55] : memref<80x1024xf32, #tpu.memory_space<vmem>> -> memref<48x1024xf32, #tpu.memory_space<vmem>>
      tpu.wait_dma2 semaphore(%run_scoped3A : memref<!tpu.dma_semaphore, #tpu.memory_space<semaphore_mem>>) src(%dma_wait3A_56 : memref<48x1024xf32, #tpu.memory_space<vmem>>) dst(%dma_wait3A_53 : memref<48x1024xf32, #tpu.memory_space<hbm>>)
      tpu.yield
    }) : () -> ()
    return
  }
}

#map = affine_map<(d0, d1) -> (0, 0)>
#map1 = affine_map<(d0, d1) -> (0)>
module attributes {stable_mosaic.version = 14 : i64} {
  func.func @k(%arg0: i32, %arg1: i32, %arg2: memref<4096x1024xf32, #tpu.memory_space<hbm>>, %arg3: memref<32x128xi32, #tpu.memory_space<hbm>>, %arg4: memref<5120xi32, #tpu.memory_space<hbm>>, %arg5: memref<32x128xi32, #tpu.memory_space<hbm>>, %arg6: memref<5120x1024xf32, #tpu.memory_space<hbm>>, %arg7: memref<2x128xi32, #tpu.memory_space<vmem>>, %arg8: memref<2x128xi32, #tpu.memory_space<vmem>>, %arg9: memref<320xi32, #tpu.memory_space<vmem>>, %arg10: memref<80xi32, #tpu.memory_space<vmem>>, %arg11: memref<80x1024xf32, #tpu.memory_space<vmem>>, %arg12: memref<5120xi32, #tpu.memory_space<vmem_shared>>, %arg13: memref<!tpu.dma_semaphore, #tpu.memory_space<semaphore_mem>>) attributes {dimension_semantics = [#tpu.dimension_semantics<core_parallel>, #tpu.dimension_semantics<subcore_parallel>], iteration_bounds = array<i64: 2, 16>, scalar_prefetch = 0 : i64, scratch_operands = 7 : i64, tpu.core_type = #tpu.core_type<sc_vector_subcore>, window_params = [{transform_indices = #map}, {transform_indices = #map}, {transform_indices = #map1}, {transform_indices = #map}, {transform_indices = #map}]} {
    %mul3A = arith.constant 2 : i32
    %mul3A_0 = arith.muli %arg1, %mul3A : i32
    %add3A = arith.addi %mul3A_0, %arg0 : i32
    %mul3A_1 = arith.constant 320 : i32
    %mul3A_2 = arith.muli %arg1, %mul3A_1 : i32
    "tpu.region"() ({
      %run_scoped3A_44 = tpu.sem_alloc : memref<!tpu.dma_semaphore, #tpu.memory_space<semaphore_mem>>
      %dma_start3A_45 = tpu.memref_slice %arg4[%mul3A_2] : memref<5120xi32, #tpu.memory_space<hbm>> -> memref<320xi32, #tpu.memory_space<hbm>>
      %dma_start3A_46 = tpu.memref_slice %arg4[%mul3A_2] : memref<5120xi32, #tpu.memory_space<hbm>> -> memref<320xi32, #tpu.memory_space<hbm>>
      tpu.enqueue_dma source(%dma_start3A_46 : memref<320xi32, #tpu.memory_space<hbm>>) target(%arg9 : memref<320xi32, #tpu.memory_space<vmem>>) target_semaphore(%run_scoped3A_44 : memref<!tpu.dma_semaphore, #tpu.memory_space<semaphore_mem>>)
      %dma_wait3A_47 = tpu.memref_slice %arg4[%mul3A_2] : memref<5120xi32, #tpu.memory_space<hbm>> -> memref<320xi32, #tpu.memory_space<hbm>>
      %dma_wait3A_48 = tpu.memref_slice %arg4[%mul3A_2] : memref<5120xi32, #tpu.memory_space<hbm>> -> memref<320xi32, #tpu.memory_space<hbm>>
      tpu.wait_dma2 semaphore(%run_scoped3A_44 : memref<!tpu.dma_semaphore, #tpu.memory_space<semaphore_mem>>) src(%dma_wait3A_48 : memref<320xi32, #tpu.memory_space<hbm>>) dst(%arg9 : memref<320xi32, #tpu.memory_space<vmem>>)
      tpu.yield
    }) : () -> ()
    "tpu.region"() ({
      %run_scoped3A_44 = tpu.sem_alloc : memref<!tpu.dma_semaphore, #tpu.memory_space<semaphore_mem>>
      %dma_start3A_45 = tpu.memref_slice %arg12[%mul3A_2] : memref<5120xi32, #tpu.memory_space<vmem_shared>> -> memref<320xi32, #tpu.memory_space<vmem_shared>>
      %dma_start3A_46 = tpu.memref_slice %arg12[%mul3A_2] : memref<5120xi32, #tpu.memory_space<vmem_shared>> -> memref<320xi32, #tpu.memory_space<vmem_shared>>
      tpu.enqueue_dma source(%arg9 : memref<320xi32, #tpu.memory_space<vmem>>) target(%dma_start3A_46 : memref<320xi32, #tpu.memory_space<vmem_shared>>) target_semaphore(%run_scoped3A_44 : memref<!tpu.dma_semaphore, #tpu.memory_space<semaphore_mem>>)
      %dma_wait3A_47 = tpu.memref_slice %arg12[%mul3A_2] : memref<5120xi32, #tpu.memory_space<vmem_shared>> -> memref<320xi32, #tpu.memory_space<vmem_shared>>
      %dma_wait3A_48 = tpu.memref_slice %arg12[%mul3A_2] : memref<5120xi32, #tpu.memory_space<vmem_shared>> -> memref<320xi32, #tpu.memory_space<vmem_shared>>
      tpu.wait_dma2 semaphore(%run_scoped3A_44 : memref<!tpu.dma_semaphore, #tpu.memory_space<semaphore_mem>>) src(%arg9 : memref<320xi32, #tpu.memory_space<vmem>>) dst(%dma_wait3A_48 : memref<320xi32, #tpu.memory_space<vmem_shared>>)
      tpu.yield
    }) : () -> ()
    %mul3A_3 = arith.constant 2 : i32
    %mul3A_4 = arith.muli %arg1, %mul3A_3 : i32
    "tpu.region"() ({
      %run_scoped3A_44 = tpu.sem_alloc : memref<!tpu.dma_semaphore, #tpu.memory_space<semaphore_mem>>
      %dma_start3A_45 = arith.constant 0 : i32
      %dma_start3A_46 = tpu.memref_slice %arg3[%mul3A_4, %dma_start3A_45] : memref<32x128xi32, #tpu.memory_space<hbm>> -> memref<2x128xi32, #tpu.memory_space<hbm>>
      %dma_start3A_47 = arith.constant 0 : i32
      %dma_start3A_48 = tpu.memref_slice %arg3[%mul3A_4, %dma_start3A_47] : memref<32x128xi32, #tpu.memory_space<hbm>> -> memref<2x128xi32, #tpu.memory_space<hbm>>
      tpu.enqueue_dma source(%dma_start3A_48 : memref<2x128xi32, #tpu.memory_space<hbm>>) target(%arg7 : memref<2x128xi32, #tpu.memory_space<vmem>>) target_semaphore(%run_scoped3A_44 : memref<!tpu.dma_semaphore, #tpu.memory_space<semaphore_mem>>)
      %dma_wait3A_49 = arith.constant 0 : i32
      %dma_wait3A_50 = tpu.memref_slice %arg3[%mul3A_4, %dma_wait3A_49] : memref<32x128xi32, #tpu.memory_space<hbm>> -> memref<2x128xi32, #tpu.memory_space<hbm>>
      %dma_wait3A_51 = arith.constant 0 : i32
      %dma_wait3A_52 = tpu.memref_slice %arg3[%mul3A_4, %dma_wait3A_51] : memref<32x128xi32, #tpu.memory_space<hbm>> -> memref<2x128xi32, #tpu.memory_space<hbm>>
      tpu.wait_dma2 semaphore(%run_scoped3A_44 : memref<!tpu.dma_semaphore, #tpu.memory_space<semaphore_mem>>) src(%dma_wait3A_52 : memref<2x128xi32, #tpu.memory_space<hbm>>) dst(%arg7 : memref<2x128xi32, #tpu.memory_space<vmem>>)
      tpu.yield
    }) : () -> ()
    "tpu.region"() ({
      %run_scoped3A_44 = tpu.sem_alloc : memref<!tpu.dma_semaphore, #tpu.memory_space<semaphore_mem>>
      %dma_start3A_45 = arith.constant 0 : i32
      %dma_start3A_46 = tpu.memref_slice %arg5[%mul3A_4, %dma_start3A_45] : memref<32x128xi32, #tpu.memory_space<hbm>> -> memref<2x128xi32, #tpu.memory_space<hbm>>
      %dma_start3A_47 = arith.constant 0 : i32
      %dma_start3A_48 = tpu.memref_slice %arg5[%mul3A_4, %dma_start3A_47] : memref<32x128xi32, #tpu.memory_space<hbm>> -> memref<2x128xi32, #tpu.memory_space<hbm>>
      tpu.enqueue_dma source(%dma_start3A_48 : memref<2x128xi32, #tpu.memory_space<hbm>>) target(%arg8 : memref<2x128xi32, #tpu.memory_space<vmem>>) target_semaphore(%run_scoped3A_44 : memref<!tpu.dma_semaphore, #tpu.memory_space<semaphore_mem>>)
      %dma_wait3A_49 = arith.constant 0 : i32
      %dma_wait3A_50 = tpu.memref_slice %arg5[%mul3A_4, %dma_wait3A_49] : memref<32x128xi32, #tpu.memory_space<hbm>> -> memref<2x128xi32, #tpu.memory_space<hbm>>
      %dma_wait3A_51 = arith.constant 0 : i32
      %dma_wait3A_52 = tpu.memref_slice %arg5[%mul3A_4, %dma_wait3A_51] : memref<32x128xi32, #tpu.memory_space<hbm>> -> memref<2x128xi32, #tpu.memory_space<hbm>>
      tpu.wait_dma2 semaphore(%run_scoped3A_44 : memref<!tpu.dma_semaphore, #tpu.memory_space<semaphore_mem>>) src(%dma_wait3A_52 : memref<2x128xi32, #tpu.memory_space<hbm>>) dst(%arg8 : memref<2x128xi32, #tpu.memory_space<vmem>>)
      tpu.yield
    }) : () -> ()
    %run_scoped3A = arith.constant 0 : i32
    %run_scoped3A_5 = arith.constant 0 : i32
    "tpu.region"() ({
      %run_scoped3A_44 = tpu.sem_alloc : memref<!tpu.dma_semaphore, #tpu.memory_space<semaphore_mem>>
      %dma_start3A_45 = arith.constant 0 : i32
      %dma_start3A_46 = tpu.memref_slice %arg8[%run_scoped3A, %dma_start3A_45] : memref<2x128xi32, #tpu.memory_space<vmem>> -> memref<1x128xi32, #tpu.memory_space<vmem>>
      %dma_start3A_47 = tpu.memref_squeeze %dma_start3A_46 : memref<1x128xi32, #tpu.memory_space<vmem>> -> memref<128xi32, #tpu.memory_space<vmem>>
      %dma_start3A_48 = arith.constant 0 : i32
      %dma_start3A_49 = tpu.memref_slice %arg7[%run_scoped3A_5, %dma_start3A_48] : memref<2x128xi32, #tpu.memory_space<vmem>> -> memref<1x128xi32, #tpu.memory_space<vmem>>
      %dma_start3A_50 = tpu.memref_squeeze %dma_start3A_49 : memref<1x128xi32, #tpu.memory_space<vmem>> -> memref<128xi32, #tpu.memory_space<vmem>>
      %dma_start3A_51 = arith.constant 0 : i32
      %dma_start3A_52 = tpu.memref_slice %arg12[%dma_start3A_51] : memref<5120xi32, #tpu.memory_space<vmem_shared>> -> memref<5120xi32, #tpu.memory_space<vmem_shared>>
      tpu.enqueue_indirect_dma source(%dma_start3A_47 : memref<128xi32, #tpu.memory_space<vmem>>) target(%dma_start3A_52 : memref<5120xi32, #tpu.memory_space<vmem_shared>>) offsets(%dma_start3A_50 : memref<128xi32, #tpu.memory_space<vmem>>) semaphore(%run_scoped3A_44 : memref<!tpu.dma_semaphore, #tpu.memory_space<semaphore_mem>>)
      %dma_wait3A_53 = arith.constant 0 : i32
      %dma_wait3A_54 = tpu.memref_slice %arg8[%run_scoped3A, %dma_wait3A_53] : memref<2x128xi32, #tpu.memory_space<vmem>> -> memref<1x128xi32, #tpu.memory_space<vmem>>
      %dma_wait3A_55 = tpu.memref_squeeze %dma_wait3A_54 : memref<1x128xi32, #tpu.memory_space<vmem>> -> memref<128xi32, #tpu.memory_space<vmem>>
      %dma_wait3A_56 = arith.constant 0 : i32
      %dma_wait3A_57 = tpu.memref_slice %arg7[%run_scoped3A_5, %dma_wait3A_56] : memref<2x128xi32, #tpu.memory_space<vmem>> -> memref<1x128xi32, #tpu.memory_space<vmem>>
      %dma_wait3A_58 = tpu.memref_squeeze %dma_wait3A_57 : memref<1x128xi32, #tpu.memory_space<vmem>> -> memref<128xi32, #tpu.memory_space<vmem>>
      %dma_wait3A_59 = arith.constant 0 : i32
      %dma_wait3A_60 = tpu.memref_slice %arg12[%dma_wait3A_59] : memref<5120xi32, #tpu.memory_space<vmem_shared>> -> memref<5120xi32, #tpu.memory_space<vmem_shared>>
      tpu.wait_indirect_dma semaphore(%run_scoped3A_44 : memref<!tpu.dma_semaphore, #tpu.memory_space<semaphore_mem>>) src(%dma_wait3A_55 : memref<128xi32, #tpu.memory_space<vmem>>) dst(%dma_wait3A_60 : memref<5120xi32, #tpu.memory_space<vmem_shared>>)
      tpu.yield
    }) : () -> ()
    %run_scoped3A_6 = arith.constant 1 : i32
    %run_scoped3A_7 = arith.constant 1 : i32
    "tpu.region"() ({
      %run_scoped3A_44 = tpu.sem_alloc : memref<!tpu.dma_semaphore, #tpu.memory_space<semaphore_mem>>
      %dma_start3A_45 = arith.constant 0 : i32
      %dma_start3A_46 = tpu.memref_slice %arg8[%run_scoped3A_6, %dma_start3A_45] : memref<2x128xi32, #tpu.memory_space<vmem>> -> memref<1x128xi32, #tpu.memory_space<vmem>>
      %dma_start3A_47 = tpu.memref_squeeze %dma_start3A_46 : memref<1x128xi32, #tpu.memory_space<vmem>> -> memref<128xi32, #tpu.memory_space<vmem>>
      %dma_start3A_48 = arith.constant 0 : i32
      %dma_start3A_49 = tpu.memref_slice %arg7[%run_scoped3A_7, %dma_start3A_48] : memref<2x128xi32, #tpu.memory_space<vmem>> -> memref<1x128xi32, #tpu.memory_space<vmem>>
      %dma_start3A_50 = tpu.memref_squeeze %dma_start3A_49 : memref<1x128xi32, #tpu.memory_space<vmem>> -> memref<128xi32, #tpu.memory_space<vmem>>
      %dma_start3A_51 = arith.constant 0 : i32
      %dma_start3A_52 = tpu.memref_slice %arg12[%dma_start3A_51] : memref<5120xi32, #tpu.memory_space<vmem_shared>> -> memref<5120xi32, #tpu.memory_space<vmem_shared>>
      tpu.enqueue_indirect_dma source(%dma_start3A_47 : memref<128xi32, #tpu.memory_space<vmem>>) target(%dma_start3A_52 : memref<5120xi32, #tpu.memory_space<vmem_shared>>) offsets(%dma_start3A_50 : memref<128xi32, #tpu.memory_space<vmem>>) semaphore(%run_scoped3A_44 : memref<!tpu.dma_semaphore, #tpu.memory_space<semaphore_mem>>)
      %dma_wait3A_53 = arith.constant 0 : i32
      %dma_wait3A_54 = tpu.memref_slice %arg8[%run_scoped3A_6, %dma_wait3A_53] : memref<2x128xi32, #tpu.memory_space<vmem>> -> memref<1x128xi32, #tpu.memory_space<vmem>>
      %dma_wait3A_55 = tpu.memref_squeeze %dma_wait3A_54 : memref<1x128xi32, #tpu.memory_space<vmem>> -> memref<128xi32, #tpu.memory_space<vmem>>
      %dma_wait3A_56 = arith.constant 0 : i32
      %dma_wait3A_57 = tpu.memref_slice %arg7[%run_scoped3A_7, %dma_wait3A_56] : memref<2x128xi32, #tpu.memory_space<vmem>> -> memref<1x128xi32, #tpu.memory_space<vmem>>
      %dma_wait3A_58 = tpu.memref_squeeze %dma_wait3A_57 : memref<1x128xi32, #tpu.memory_space<vmem>> -> memref<128xi32, #tpu.memory_space<vmem>>
      %dma_wait3A_59 = arith.constant 0 : i32
      %dma_wait3A_60 = tpu.memref_slice %arg12[%dma_wait3A_59] : memref<5120xi32, #tpu.memory_space<vmem_shared>> -> memref<5120xi32, #tpu.memory_space<vmem_shared>>
      tpu.wait_indirect_dma semaphore(%run_scoped3A_44 : memref<!tpu.dma_semaphore, #tpu.memory_space<semaphore_mem>>) src(%dma_wait3A_55 : memref<128xi32, #tpu.memory_space<vmem>>) dst(%dma_wait3A_60 : memref<5120xi32, #tpu.memory_space<vmem_shared>>)
      tpu.yield
    }) : () -> ()
    %barrier3A = arith.constant 0 : index
    tpu.barrier barrier_id(%barrier3A)
    %mul3A_8 = arith.constant 160 : i32
    %mul3A_9 = arith.muli %add3A, %mul3A_8 : i32
    %add3A_10 = arith.constant 0 : i32
    %add3A_11 = arith.addi %mul3A_9, %add3A_10 : i32
    "tpu.region"() ({
      %run_scoped3A_44 = tpu.sem_alloc : memref<!tpu.dma_semaphore, #tpu.memory_space<semaphore_mem>>
      %dma_start3A_45 = arith.constant 0 : i32
      %dma_start3A_46 = tpu.memref_slice %arg10[%dma_start3A_45] : memref<80xi32, #tpu.memory_space<vmem>> -> memref<80xi32, #tpu.memory_space<vmem>>
      %dma_start3A_47 = tpu.memref_slice %arg12[%add3A_11] : memref<5120xi32, #tpu.memory_space<vmem_shared>> -> memref<80xi32, #tpu.memory_space<vmem_shared>>
      %dma_start3A_48 = arith.constant 0 : i32
      %dma_start3A_49 = tpu.memref_slice %arg10[%dma_start3A_48] : memref<80xi32, #tpu.memory_space<vmem>> -> memref<80xi32, #tpu.memory_space<vmem>>
      %dma_start3A_50 = tpu.memref_slice %arg12[%add3A_11] : memref<5120xi32, #tpu.memory_space<vmem_shared>> -> memref<80xi32, #tpu.memory_space<vmem_shared>>
      tpu.enqueue_dma source(%dma_start3A_50 : memref<80xi32, #tpu.memory_space<vmem_shared>>) target(%dma_start3A_49 : memref<80xi32, #tpu.memory_space<vmem>>) target_semaphore(%run_scoped3A_44 : memref<!tpu.dma_semaphore, #tpu.memory_space<semaphore_mem>>)
      %dma_wait3A_51 = arith.constant 0 : i32
      %dma_wait3A_52 = tpu.memref_slice %arg10[%dma_wait3A_51] : memref<80xi32, #tpu.memory_space<vmem>> -> memref<80xi32, #tpu.memory_space<vmem>>
      %dma_wait3A_53 = tpu.memref_slice %arg12[%add3A_11] : memref<5120xi32, #tpu.memory_space<vmem_shared>> -> memref<80xi32, #tpu.memory_space<vmem_shared>>
      %dma_wait3A_54 = arith.constant 0 : i32
      %dma_wait3A_55 = tpu.memref_slice %arg10[%dma_wait3A_54] : memref<80xi32, #tpu.memory_space<vmem>> -> memref<80xi32, #tpu.memory_space<vmem>>
      %dma_wait3A_56 = tpu.memref_slice %arg12[%add3A_11] : memref<5120xi32, #tpu.memory_space<vmem_shared>> -> memref<80xi32, #tpu.memory_space<vmem_shared>>
      tpu.wait_dma2 semaphore(%run_scoped3A_44 : memref<!tpu.dma_semaphore, #tpu.memory_space<semaphore_mem>>) src(%dma_wait3A_56 : memref<80xi32, #tpu.memory_space<vmem_shared>>) dst(%dma_wait3A_55 : memref<80xi32, #tpu.memory_space<vmem>>)
      tpu.yield
    }) : () -> ()
    %dma_start3A = arith.constant 0 : i32
    %dma_start3A_12 = arith.constant 0 : i32
    %dma_start3A_13 = tpu.memref_slice %arg11[%dma_start3A, %dma_start3A_12] : memref<80x1024xf32, #tpu.memory_space<vmem>> -> memref<80x1024xf32, #tpu.memory_space<vmem>>
    %dma_start3A_14 = arith.constant 0 : i32
    %dma_start3A_15 = tpu.memref_slice %arg10[%dma_start3A_14] : memref<80xi32, #tpu.memory_space<vmem>> -> memref<80xi32, #tpu.memory_space<vmem>>
    %dma_start3A_16 = arith.constant 0 : i32
    %dma_start3A_17 = arith.constant 0 : i32
    %dma_start3A_18 = tpu.memref_slice %arg2[%dma_start3A_16, %dma_start3A_17] : memref<4096x1024xf32, #tpu.memory_space<hbm>> -> memref<4096x1024xf32, #tpu.memory_space<hbm>>
    tpu.enqueue_indirect_dma source(%dma_start3A_18 : memref<4096x1024xf32, #tpu.memory_space<hbm>>) target(%dma_start3A_13 : memref<80x1024xf32, #tpu.memory_space<vmem>>) offsets(%dma_start3A_15 : memref<80xi32, #tpu.memory_space<vmem>>) semaphore(%arg13 : memref<!tpu.dma_semaphore, #tpu.memory_space<semaphore_mem>>)
    %dma_wait3A = arith.constant 0 : i32
    %dma_wait3A_19 = arith.constant 0 : i32
    %dma_wait3A_20 = tpu.memref_slice %arg11[%dma_wait3A, %dma_wait3A_19] : memref<80x1024xf32, #tpu.memory_space<vmem>> -> memref<80x1024xf32, #tpu.memory_space<vmem>>
    %dma_wait3A_21 = arith.constant 0 : i32
    %dma_wait3A_22 = tpu.memref_slice %arg10[%dma_wait3A_21] : memref<80xi32, #tpu.memory_space<vmem>> -> memref<80xi32, #tpu.memory_space<vmem>>
    %dma_wait3A_23 = arith.constant 0 : i32
    %dma_wait3A_24 = arith.constant 0 : i32
    %dma_wait3A_25 = tpu.memref_slice %arg2[%dma_wait3A_23, %dma_wait3A_24] : memref<4096x1024xf32, #tpu.memory_space<hbm>> -> memref<4096x1024xf32, #tpu.memory_space<hbm>>
    tpu.wait_indirect_dma semaphore(%arg13 : memref<!tpu.dma_semaphore, #tpu.memory_space<semaphore_mem>>) src(%dma_wait3A_25 : memref<4096x1024xf32, #tpu.memory_space<hbm>>) dst(%dma_wait3A_20 : memref<80x1024xf32, #tpu.memory_space<vmem>>)
    "tpu.region"() ({
      %run_scoped3A_44 = tpu.sem_alloc : memref<!tpu.dma_semaphore, #tpu.memory_space<semaphore_mem>>
      %dma_start3A_45 = arith.constant 0 : i32
      %dma_start3A_46 = arith.constant 0 : i32
      %dma_start3A_47 = tpu.memref_slice %arg11[%dma_start3A_45, %dma_start3A_46] : memref<80x1024xf32, #tpu.memory_space<vmem>> -> memref<80x1024xf32, #tpu.memory_space<vmem>>
      %dma_start3A_48 = arith.constant 0 : i32
      %dma_start3A_49 = tpu.memref_slice %arg6[%add3A_11, %dma_start3A_48] : memref<5120x1024xf32, #tpu.memory_space<hbm>> -> memref<80x1024xf32, #tpu.memory_space<hbm>>
      %dma_start3A_50 = arith.constant 0 : i32
      %dma_start3A_51 = tpu.memref_slice %arg6[%add3A_11, %dma_start3A_50] : memref<5120x1024xf32, #tpu.memory_space<hbm>> -> memref<80x1024xf32, #tpu.memory_space<hbm>>
      %dma_start3A_52 = arith.constant 0 : i32
      %dma_start3A_53 = arith.constant 0 : i32
      %dma_start3A_54 = tpu.memref_slice %arg11[%dma_start3A_52, %dma_start3A_53] : memref<80x1024xf32, #tpu.memory_space<vmem>> -> memref<80x1024xf32, #tpu.memory_space<vmem>>
      tpu.enqueue_dma source(%dma_start3A_54 : memref<80x1024xf32, #tpu.memory_space<vmem>>) target(%dma_start3A_51 : memref<80x1024xf32, #tpu.memory_space<hbm>>) target_semaphore(%run_scoped3A_44 : memref<!tpu.dma_semaphore, #tpu.memory_space<semaphore_mem>>)
      %dma_wait3A_55 = arith.constant 0 : i32
      %dma_wait3A_56 = arith.constant 0 : i32
      %dma_wait3A_57 = tpu.memref_slice %arg11[%dma_wait3A_55, %dma_wait3A_56] : memref<80x1024xf32, #tpu.memory_space<vmem>> -> memref<80x1024xf32, #tpu.memory_space<vmem>>
      %dma_wait3A_58 = arith.constant 0 : i32
      %dma_wait3A_59 = tpu.memref_slice %arg6[%add3A_11, %dma_wait3A_58] : memref<5120x1024xf32, #tpu.memory_space<hbm>> -> memref<80x1024xf32, #tpu.memory_space<hbm>>
      %dma_wait3A_60 = arith.constant 0 : i32
      %dma_wait3A_61 = tpu.memref_slice %arg6[%add3A_11, %dma_wait3A_60] : memref<5120x1024xf32, #tpu.memory_space<hbm>> -> memref<80x1024xf32, #tpu.memory_space<hbm>>
      %dma_wait3A_62 = arith.constant 0 : i32
      %dma_wait3A_63 = arith.constant 0 : i32
      %dma_wait3A_64 = tpu.memref_slice %arg11[%dma_wait3A_62, %dma_wait3A_63] : memref<80x1024xf32, #tpu.memory_space<vmem>> -> memref<80x1024xf32, #tpu.memory_space<vmem>>
      tpu.wait_dma2 semaphore(%run_scoped3A_44 : memref<!tpu.dma_semaphore, #tpu.memory_space<semaphore_mem>>) src(%dma_wait3A_64 : memref<80x1024xf32, #tpu.memory_space<vmem>>) dst(%dma_wait3A_61 : memref<80x1024xf32, #tpu.memory_space<hbm>>)
      tpu.yield
    }) : () -> ()
    %add3A_26 = arith.constant 80 : i32
    %add3A_27 = arith.addi %mul3A_9, %add3A_26 : i32
    "tpu.region"() ({
      %run_scoped3A_44 = tpu.sem_alloc : memref<!tpu.dma_semaphore, #tpu.memory_space<semaphore_mem>>
      %dma_start3A_45 = arith.constant 0 : i32
      %dma_start3A_46 = tpu.memref_slice %arg10[%dma_start3A_45] : memref<80xi32, #tpu.memory_space<vmem>> -> memref<80xi32, #tpu.memory_space<vmem>>
      %dma_start3A_47 = tpu.memref_slice %arg12[%add3A_27] : memref<5120xi32, #tpu.memory_space<vmem_shared>> -> memref<80xi32, #tpu.memory_space<vmem_shared>>
      %dma_start3A_48 = arith.constant 0 : i32
      %dma_start3A_49 = tpu.memref_slice %arg10[%dma_start3A_48] : memref<80xi32, #tpu.memory_space<vmem>> -> memref<80xi32, #tpu.memory_space<vmem>>
      %dma_start3A_50 = tpu.memref_slice %arg12[%add3A_27] : memref<5120xi32, #tpu.memory_space<vmem_shared>> -> memref<80xi32, #tpu.memory_space<vmem_shared>>
      tpu.enqueue_dma source(%dma_start3A_50 : memref<80xi32, #tpu.memory_space<vmem_shared>>) target(%dma_start3A_49 : memref<80xi32, #tpu.memory_space<vmem>>) target_semaphore(%run_scoped3A_44 : memref<!tpu.dma_semaphore, #tpu.memory_space<semaphore_mem>>)
      %dma_wait3A_51 = arith.constant 0 : i32
      %dma_wait3A_52 = tpu.memref_slice %arg10[%dma_wait3A_51] : memref<80xi32, #tpu.memory_space<vmem>> -> memref<80xi32, #tpu.memory_space<vmem>>
      %dma_wait3A_53 = tpu.memref_slice %arg12[%add3A_27] : memref<5120xi32, #tpu.memory_space<vmem_shared>> -> memref<80xi32, #tpu.memory_space<vmem_shared>>
      %dma_wait3A_54 = arith.constant 0 : i32
      %dma_wait3A_55 = tpu.memref_slice %arg10[%dma_wait3A_54] : memref<80xi32, #tpu.memory_space<vmem>> -> memref<80xi32, #tpu.memory_space<vmem>>
      %dma_wait3A_56 = tpu.memref_slice %arg12[%add3A_27] : memref<5120xi32, #tpu.memory_space<vmem_shared>> -> memref<80xi32, #tpu.memory_space<vmem_shared>>
      tpu.wait_dma2 semaphore(%run_scoped3A_44 : memref<!tpu.dma_semaphore, #tpu.memory_space<semaphore_mem>>) src(%dma_wait3A_56 : memref<80xi32, #tpu.memory_space<vmem_shared>>) dst(%dma_wait3A_55 : memref<80xi32, #tpu.memory_space<vmem>>)
      tpu.yield
    }) : () -> ()
    %dma_start3A_28 = arith.constant 0 : i32
    %dma_start3A_29 = arith.constant 0 : i32
    %dma_start3A_30 = tpu.memref_slice %arg11[%dma_start3A_28, %dma_start3A_29] : memref<80x1024xf32, #tpu.memory_space<vmem>> -> memref<80x1024xf32, #tpu.memory_space<vmem>>
    %dma_start3A_31 = arith.constant 0 : i32
    %dma_start3A_32 = tpu.memref_slice %arg10[%dma_start3A_31] : memref<80xi32, #tpu.memory_space<vmem>> -> memref<80xi32, #tpu.memory_space<vmem>>
    %dma_start3A_33 = arith.constant 0 : i32
    %dma_start3A_34 = arith.constant 0 : i32
    %dma_start3A_35 = tpu.memref_slice %arg2[%dma_start3A_33, %dma_start3A_34] : memref<4096x1024xf32, #tpu.memory_space<hbm>> -> memref<4096x1024xf32, #tpu.memory_space<hbm>>
    tpu.enqueue_indirect_dma source(%dma_start3A_35 : memref<4096x1024xf32, #tpu.memory_space<hbm>>) target(%dma_start3A_30 : memref<80x1024xf32, #tpu.memory_space<vmem>>) offsets(%dma_start3A_32 : memref<80xi32, #tpu.memory_space<vmem>>) semaphore(%arg13 : memref<!tpu.dma_semaphore, #tpu.memory_space<semaphore_mem>>)
    %dma_wait3A_36 = arith.constant 0 : i32
    %dma_wait3A_37 = arith.constant 0 : i32
    %dma_wait3A_38 = tpu.memref_slice %arg11[%dma_wait3A_36, %dma_wait3A_37] : memref<80x1024xf32, #tpu.memory_space<vmem>> -> memref<80x1024xf32, #tpu.memory_space<vmem>>
    %dma_wait3A_39 = arith.constant 0 : i32
    %dma_wait3A_40 = tpu.memref_slice %arg10[%dma_wait3A_39] : memref<80xi32, #tpu.memory_space<vmem>> -> memref<80xi32, #tpu.memory_space<vmem>>
    %dma_wait3A_41 = arith.constant 0 : i32
    %dma_wait3A_42 = arith.constant 0 : i32
    %dma_wait3A_43 = tpu.memref_slice %arg2[%dma_wait3A_41, %dma_wait3A_42] : memref<4096x1024xf32, #tpu.memory_space<hbm>> -> memref<4096x1024xf32, #tpu.memory_space<hbm>>
    tpu.wait_indirect_dma semaphore(%arg13 : memref<!tpu.dma_semaphore, #tpu.memory_space<semaphore_mem>>) src(%dma_wait3A_43 : memref<4096x1024xf32, #tpu.memory_space<hbm>>) dst(%dma_wait3A_38 : memref<80x1024xf32, #tpu.memory_space<vmem>>)
    "tpu.region"() ({
      %run_scoped3A_44 = tpu.sem_alloc : memref<!tpu.dma_semaphore, #tpu.memory_space<semaphore_mem>>
      %dma_start3A_45 = arith.constant 0 : i32
      %dma_start3A_46 = arith.constant 0 : i32
      %dma_start3A_47 = tpu.memref_slice %arg11[%dma_start3A_45, %dma_start3A_46] : memref<80x1024xf32, #tpu.memory_space<vmem>> -> memref<80x1024xf32, #tpu.memory_space<vmem>>
      %dma_start3A_48 = arith.constant 0 : i32
      %dma_start3A_49 = tpu.memref_slice %arg6[%add3A_27, %dma_start3A_48] : memref<5120x1024xf32, #tpu.memory_space<hbm>> -> memref<80x1024xf32, #tpu.memory_space<hbm>>
      %dma_start3A_50 = arith.constant 0 : i32
      %dma_start3A_51 = tpu.memref_slice %arg6[%add3A_27, %dma_start3A_50] : memref<5120x1024xf32, #tpu.memory_space<hbm>> -> memref<80x1024xf32, #tpu.memory_space<hbm>>
      %dma_start3A_52 = arith.constant 0 : i32
      %dma_start3A_53 = arith.constant 0 : i32
      %dma_start3A_54 = tpu.memref_slice %arg11[%dma_start3A_52, %dma_start3A_53] : memref<80x1024xf32, #tpu.memory_space<vmem>> -> memref<80x1024xf32, #tpu.memory_space<vmem>>
      tpu.enqueue_dma source(%dma_start3A_54 : memref<80x1024xf32, #tpu.memory_space<vmem>>) target(%dma_start3A_51 : memref<80x1024xf32, #tpu.memory_space<hbm>>) target_semaphore(%run_scoped3A_44 : memref<!tpu.dma_semaphore, #tpu.memory_space<semaphore_mem>>)
      %dma_wait3A_55 = arith.constant 0 : i32
      %dma_wait3A_56 = arith.constant 0 : i32
      %dma_wait3A_57 = tpu.memref_slice %arg11[%dma_wait3A_55, %dma_wait3A_56] : memref<80x1024xf32, #tpu.memory_space<vmem>> -> memref<80x1024xf32, #tpu.memory_space<vmem>>
      %dma_wait3A_58 = arith.constant 0 : i32
      %dma_wait3A_59 = tpu.memref_slice %arg6[%add3A_27, %dma_wait3A_58] : memref<5120x1024xf32, #tpu.memory_space<hbm>> -> memref<80x1024xf32, #tpu.memory_space<hbm>>
      %dma_wait3A_60 = arith.constant 0 : i32
      %dma_wait3A_61 = tpu.memref_slice %arg6[%add3A_27, %dma_wait3A_60] : memref<5120x1024xf32, #tpu.memory_space<hbm>> -> memref<80x1024xf32, #tpu.memory_space<hbm>>
      %dma_wait3A_62 = arith.constant 0 : i32
      %dma_wait3A_63 = arith.constant 0 : i32
      %dma_wait3A_64 = tpu.memref_slice %arg11[%dma_wait3A_62, %dma_wait3A_63] : memref<80x1024xf32, #tpu.memory_space<vmem>> -> memref<80x1024xf32, #tpu.memory_space<vmem>>
      tpu.wait_dma2 semaphore(%run_scoped3A_44 : memref<!tpu.dma_semaphore, #tpu.memory_space<semaphore_mem>>) src(%dma_wait3A_64 : memref<80x1024xf32, #tpu.memory_space<vmem>>) dst(%dma_wait3A_61 : memref<80x1024xf32, #tpu.memory_space<hbm>>)
      tpu.yield
    }) : () -> ()
    return
  }
}

module attributes {stable_mosaic.version = 14 : i64} {
  func.func @_mlp_body(%arg0: i32, %arg1: memref<10xi32, #tpu.memory_space<smem>>, %arg2: memref<10xi32, #tpu.memory_space<smem>>, %arg3: memref<512x1024xf32, #tpu.memory_space<vmem>>, %arg4: memref<1024x1000xf32, #tpu.memory_space<vmem>>, %arg5: memref<1024x1000xf32, #tpu.memory_space<vmem>>, %arg6: memref<1024x1000xf32, #tpu.memory_space<vmem>>, %arg7: memref<1x1000xf32, #tpu.memory_space<vmem>>, %arg8: memref<1x1000xf32, #tpu.memory_space<vmem>>, %arg9: memref<1x1000xf32, #tpu.memory_space<vmem>>, %arg10: memref<1000x128xf32, #tpu.memory_space<vmem>>, %arg11: memref<1000x128xf32, #tpu.memory_space<vmem>>, %arg12: memref<1000x1000xf32, #tpu.memory_space<vmem>>, %arg13: memref<1x128xf32, #tpu.memory_space<vmem>>, %arg14: memref<1x128xf32, #tpu.memory_space<vmem>>, %arg15: memref<1x1000xf32, #tpu.memory_space<vmem>>, %arg16: memref<512x1024xf32, #tpu.memory_space<vmem>>, %arg17: memref<512x1000xf32, #tpu.memory_space<vmem>>) attributes {dimension_semantics = [#tpu.dimension_semantics<arbitrary>], iteration_bounds = array<i64: 10>, scalar_prefetch = 2 : i64, scratch_operands = 1 : i64, tpu.core_type = #tpu.core_type<tc>, window_params = [{transform_indices = @transform_0, window_bounds = array<i64: 512, 1024>}, {pipeline_mode = #tpu.pipeline_mode<synchronous>, transform_indices = @transform_1, window_bounds = array<i64: 1024, 1000>}, {pipeline_mode = #tpu.pipeline_mode<synchronous>, transform_indices = @transform_2, window_bounds = array<i64: 1024, 1000>}, {pipeline_mode = #tpu.pipeline_mode<synchronous>, transform_indices = @transform_3, window_bounds = array<i64: 1024, 1000>}, {pipeline_mode = #tpu.pipeline_mode<synchronous>, transform_indices = @transform_4, window_bounds = array<i64: 1, 1000>}, {pipeline_mode = #tpu.pipeline_mode<synchronous>, transform_indices = @transform_5, window_bounds = array<i64: 1, 1000>}, {pipeline_mode = #tpu.pipeline_mode<synchronous>, transform_indices = @transform_6, window_bounds = array<i64: 1, 1000>}, {pipeline_mode = #tpu.pipeline_mode<synchronous>, transform_indices = @transform_7, window_bounds = array<i64: 1000, 128>}, {pipeline_mode = #tpu.pipeline_mode<synchronous>, transform_indices = @transform_8, window_bounds = array<i64: 1000, 128>}, {pipeline_mode = #tpu.pipeline_mode<synchronous>, transform_indices = @transform_9, window_bounds = array<i64: 1000, 1000>}, {pipeline_mode = #tpu.pipeline_mode<synchronous>, transform_indices = @transform_10, window_bounds = array<i64: 1, 128>}, {pipeline_mode = #tpu.pipeline_mode<synchronous>, transform_indices = @transform_11, window_bounds = array<i64: 1, 128>}, {pipeline_mode = #tpu.pipeline_mode<synchronous>, transform_indices = @transform_12, window_bounds = array<i64: 1, 1000>}, {transform_indices = @transform_13, window_bounds = array<i64: 512, 1024>}]} {
    %get3A = arith.index_cast %arg0 : i32 to index
    %get3A_0 = memref.load %arg1[%get3A] : memref<10xi32, #tpu.memory_space<smem>>
    %get3A_1 = arith.index_cast %arg0 : i32 to index
    %get3A_2 = memref.load %arg2[%get3A_1] : memref<10xi32, #tpu.memory_space<smem>>
    %eq3A = arith.constant 1 : i32
    %eq3A_3 = arith.cmpi eq, %get3A_2, %eq3A : i32
    %eq3A_4 = arith.constant 0 : i32
    %eq3A_5 = arith.cmpi eq, %get3A_0, %eq3A_4 : i32
    %and3A = arith.andi %eq3A_3, %eq3A_5 : i1
    %convert_element_type3A = arith.extui %and3A : i1 to i32
    %cond3A = arith.constant 0 : i32
    %cond3A_6 = arith.cmpi ne, %convert_element_type3A, %cond3A : i32
    scf.if %cond3A_6 {
      %get3A_30 = arith.constant 0 : index
      %get3A_31 = arith.constant 0 : index
      %get3A_32 = vector.load %arg3[%get3A_30, %get3A_31] : memref<512x1024xf32, #tpu.memory_space<vmem>>, vector<512x1024xf32>
      %get3A_33 = arith.constant 0 : index
      %get3A_34 = arith.constant 0 : index
      %get3A_35 = vector.load %arg4[%get3A_33, %get3A_34] : memref<1024x1000xf32, #tpu.memory_space<vmem>>, vector<1024x1000xf32>
      %dot_general3A = arith.constant dense<0.000000e+00> : vector<512x1000xf32>
      %dot_general3A_36 = tpu.matmul %get3A_32, %get3A_35, %dot_general3A {dimension_numbers = #tpu.dot_dimension_numbers<[1], [0], [0], [1], [0, 0, 1, 1], [], []>, transpose_lhs_hint = false} : vector<512x1024xf32>, vector<1024x1000xf32>, vector<512x1000xf32> -> vector<512x1000xf32>
      %get3A_37 = arith.constant 0 : index
      %get3A_38 = arith.constant 0 : index
      %get3A_39 = vector.load %arg7[%get3A_37, %get3A_38] : memref<1x1000xf32, #tpu.memory_space<vmem>>, vector<1x1000xf32>
      %add3A = vector.broadcast %get3A_39 : vector<1x1000xf32> to vector<512x1000xf32>
      %add3A_40 = arith.addf %dot_general3A_36, %add3A : vector<512x1000xf32>
      %tanh3A = math.tanh %add3A_40 : vector<512x1000xf32>
      %swap3A = arith.constant 0 : index
      %swap3A_41 = arith.constant 0 : index
      %swap3A_42 = vector.load %arg17[%swap3A, %swap3A_41] : memref<512x1000xf32, #tpu.memory_space<vmem>>, vector<512x1000xf32>
      tpu.vector_store %arg17[%swap3A, %swap3A_41], %tanh3A {strides = array<i32>} : memref<512x1000xf32, #tpu.memory_space<vmem>>, vector<512x1000xf32>,
    } else {
    }
    %eq3A_7 = arith.constant 1 : i32
    %eq3A_8 = arith.cmpi eq, %get3A_0, %eq3A_7 : i32
    %and3A_9 = arith.andi %eq3A_3, %eq3A_8 : i1
    %convert_element_type3A_10 = arith.extui %and3A_9 : i1 to i32
    %cond3A_11 = arith.constant 0 : i32
    %cond3A_12 = arith.cmpi ne, %convert_element_type3A_10, %cond3A_11 : i32
    scf.if %cond3A_12 {
      %get3A_30 = arith.constant 0 : index
      %get3A_31 = arith.constant 0 : index
      %get3A_32 = vector.load %arg3[%get3A_30, %get3A_31] : memref<512x1024xf32, #tpu.memory_space<vmem>>, vector<512x1024xf32>
      %get3A_33 = arith.constant 0 : index
      %get3A_34 = arith.constant 0 : index
      %get3A_35 = vector.load %arg5[%get3A_33, %get3A_34] : memref<1024x1000xf32, #tpu.memory_space<vmem>>, vector<1024x1000xf32>
      %dot_general3A = arith.constant dense<0.000000e+00> : vector<512x1000xf32>
      %dot_general3A_36 = tpu.matmul %get3A_32, %get3A_35, %dot_general3A {dimension_numbers = #tpu.dot_dimension_numbers<[1], [0], [0], [1], [0, 0, 1, 1], [], []>, transpose_lhs_hint = false} : vector<512x1024xf32>, vector<1024x1000xf32>, vector<512x1000xf32> -> vector<512x1000xf32>
      %get3A_37 = arith.constant 0 : index
      %get3A_38 = arith.constant 0 : index
      %get3A_39 = vector.load %arg8[%get3A_37, %get3A_38] : memref<1x1000xf32, #tpu.memory_space<vmem>>, vector<1x1000xf32>
      %add3A = vector.broadcast %get3A_39 : vector<1x1000xf32> to vector<512x1000xf32>
      %add3A_40 = arith.addf %dot_general3A_36, %add3A : vector<512x1000xf32>
      %tanh3A = math.tanh %add3A_40 : vector<512x1000xf32>
      %swap3A = arith.constant 0 : index
      %swap3A_41 = arith.constant 0 : index
      %swap3A_42 = vector.load %arg17[%swap3A, %swap3A_41] : memref<512x1000xf32, #tpu.memory_space<vmem>>, vector<512x1000xf32>
      tpu.vector_store %arg17[%swap3A, %swap3A_41], %tanh3A {strides = array<i32>} : memref<512x1000xf32, #tpu.memory_space<vmem>>, vector<512x1000xf32>,
    } else {
    }
    %eq3A_13 = arith.constant 2 : i32
    %eq3A_14 = arith.cmpi eq, %get3A_0, %eq3A_13 : i32
    %and3A_15 = arith.andi %eq3A_3, %eq3A_14 : i1
    %convert_element_type3A_16 = arith.extui %and3A_15 : i1 to i32
    %cond3A_17 = arith.constant 0 : i32
    %cond3A_18 = arith.cmpi ne, %convert_element_type3A_16, %cond3A_17 : i32
    scf.if %cond3A_18 {
      %get3A_30 = arith.constant 0 : index
      %get3A_31 = arith.constant 0 : index
      %get3A_32 = vector.load %arg3[%get3A_30, %get3A_31] : memref<512x1024xf32, #tpu.memory_space<vmem>>, vector<512x1024xf32>
      %get3A_33 = arith.constant 0 : index
      %get3A_34 = arith.constant 0 : index
      %get3A_35 = vector.load %arg6[%get3A_33, %get3A_34] : memref<1024x1000xf32, #tpu.memory_space<vmem>>, vector<1024x1000xf32>
      %dot_general3A = arith.constant dense<0.000000e+00> : vector<512x1000xf32>
      %dot_general3A_36 = tpu.matmul %get3A_32, %get3A_35, %dot_general3A {dimension_numbers = #tpu.dot_dimension_numbers<[1], [0], [0], [1], [0, 0, 1, 1], [], []>, transpose_lhs_hint = false} : vector<512x1024xf32>, vector<1024x1000xf32>, vector<512x1000xf32> -> vector<512x1000xf32>
      %get3A_37 = arith.constant 0 : index
      %get3A_38 = arith.constant 0 : index
      %get3A_39 = vector.load %arg9[%get3A_37, %get3A_38] : memref<1x1000xf32, #tpu.memory_space<vmem>>, vector<1x1000xf32>
      %add3A = vector.broadcast %get3A_39 : vector<1x1000xf32> to vector<512x1000xf32>
      %add3A_40 = arith.addf %dot_general3A_36, %add3A : vector<512x1000xf32>
      %tanh3A = math.tanh %add3A_40 : vector<512x1000xf32>
      %swap3A = arith.constant 0 : index
      %swap3A_41 = arith.constant 0 : index
      %swap3A_42 = vector.load %arg17[%swap3A, %swap3A_41] : memref<512x1000xf32, #tpu.memory_space<vmem>>, vector<512x1000xf32>
      tpu.vector_store %arg17[%swap3A, %swap3A_41], %tanh3A {strides = array<i32>} : memref<512x1000xf32, #tpu.memory_space<vmem>>, vector<512x1000xf32>,
    } else {
    }
    %eq3A_19 = arith.constant 2 : i32
    %eq3A_20 = arith.cmpi eq, %get3A_0, %eq3A_19 : i32
    %and3A_21 = arith.andi %eq3A_3, %eq3A_20 : i1
    %convert_element_type3A_22 = arith.extui %and3A_21 : i1 to i32
    %cond3A_23 = arith.constant 0 : i32
    %cond3A_24 = arith.cmpi ne, %convert_element_type3A_22, %cond3A_23 : i32
    scf.if %cond3A_24 {
      %get3A_30 = arith.constant 0 : index
      %get3A_31 = arith.constant 0 : index
      %get3A_32 = vector.load %arg17[%get3A_30, %get3A_31] : memref<512x1000xf32, #tpu.memory_space<vmem>>, vector<512x1000xf32>
      %get3A_33 = arith.constant 0 : index
      %get3A_34 = arith.constant 0 : index
      %get3A_35 = vector.load %arg12[%get3A_33, %get3A_34] : memref<1000x1000xf32, #tpu.memory_space<vmem>>, vector<1000x1000xf32>
      %dot_general3A = arith.constant dense<0.000000e+00> : vector<512x1000xf32>
      %dot_general3A_36 = tpu.matmul %get3A_32, %get3A_35, %dot_general3A {dimension_numbers = #tpu.dot_dimension_numbers<[1], [0], [0], [1], [0, 0, 1, 1], [], []>, transpose_lhs_hint = false} : vector<512x1000xf32>, vector<1000x1000xf32>, vector<512x1000xf32> -> vector<512x1000xf32>
      %get3A_37 = arith.constant 0 : index
      %get3A_38 = arith.constant 0 : index
      %get3A_39 = vector.load %arg15[%get3A_37, %get3A_38] : memref<1x1000xf32, #tpu.memory_space<vmem>>, vector<1x1000xf32>
      %add3A = vector.broadcast %get3A_39 : vector<1x1000xf32> to vector<512x1000xf32>
      %add3A_40 = arith.addf %dot_general3A_36, %add3A : vector<512x1000xf32>
      %swap3A = arith.constant 0 : index
      %swap3A_41 = arith.constant 0 : index
      %swap3A_42 = vector.load %arg16[%swap3A, %swap3A_41] : memref<512x1024xf32, #tpu.memory_space<vmem>>, vector<512x1000xf32>
      tpu.vector_store %arg16[%swap3A, %swap3A_41], %add3A_40 {strides = array<i32>} : memref<512x1024xf32, #tpu.memory_space<vmem>>, vector<512x1000xf32>,
    } else {
    }
    %lt3A = arith.constant 2 : i32
    %lt3A_25 = arith.cmpi slt, %get3A_0, %lt3A : i32
    %and3A_26 = arith.andi %eq3A_3, %lt3A_25 : i1
    %convert_element_type3A_27 = arith.extui %and3A_26 : i1 to i32
    %cond3A_28 = arith.constant 0 : i32
    %cond3A_29 = arith.cmpi ne, %convert_element_type3A_27, %cond3A_28 : i32
    scf.if %cond3A_29 {
      %eq3A_30 = arith.constant 0 : i32
      %eq3A_31 = arith.cmpi eq, %get3A_0, %eq3A_30 : i32
      %get3A_32 = arith.constant 0 : index
      %get3A_33 = arith.constant 0 : index
      %get3A_34 = vector.load %arg10[%get3A_32, %get3A_33] : memref<1000x128xf32, #tpu.memory_space<vmem>>, vector<1000x128xf32>
      %get3A_35 = arith.constant 0 : index
      %get3A_36 = arith.constant 0 : index
      %get3A_37 = vector.load %arg11[%get3A_35, %get3A_36] : memref<1000x128xf32, #tpu.memory_space<vmem>>, vector<1000x128xf32>
      %select_n3A = arith.select %eq3A_31, %get3A_34, %get3A_37 : vector<1000x128xf32>
      %eq3A_38 = arith.constant 0 : i32
      %eq3A_39 = arith.cmpi eq, %get3A_0, %eq3A_38 : i32
      %get3A_40 = arith.constant 0 : index
      %get3A_41 = arith.constant 0 : index
      %get3A_42 = vector.load %arg13[%get3A_40, %get3A_41] : memref<1x128xf32, #tpu.memory_space<vmem>>, vector<1x128xf32>
      %get3A_43 = arith.constant 0 : index
      %get3A_44 = arith.constant 0 : index
      %get3A_45 = vector.load %arg14[%get3A_43, %get3A_44] : memref<1x128xf32, #tpu.memory_space<vmem>>, vector<1x128xf32>
      %select_n3A_46 = arith.select %eq3A_39, %get3A_42, %get3A_45 : vector<1x128xf32>
      %get3A_47 = arith.constant 0 : index
      %get3A_48 = arith.constant 0 : index
      %get3A_49 = vector.load %arg17[%get3A_47, %get3A_48] : memref<512x1000xf32, #tpu.memory_space<vmem>>, vector<512x1000xf32>
      %dot_general3A = arith.constant dense<0.000000e+00> : vector<512x128xf32>
      %dot_general3A_50 = tpu.matmul %get3A_49, %select_n3A, %dot_general3A {dimension_numbers = #tpu.dot_dimension_numbers<[1], [0], [0], [1], [0, 0, 1, 1], [], []>, transpose_lhs_hint = false} : vector<512x1000xf32>, vector<1000x128xf32>, vector<512x128xf32> -> vector<512x128xf32>
      %add3A = vector.broadcast %select_n3A_46 : vector<1x128xf32> to vector<512x128xf32>
      %add3A_51 = arith.addf %dot_general3A_50, %add3A : vector<512x128xf32>
      %swap3A = arith.constant 0 : index
      %swap3A_52 = arith.constant 0 : index
      %swap3A_53 = vector.load %arg16[%swap3A, %swap3A_52] : memref<512x1024xf32, #tpu.memory_space<vmem>>, vector<512x128xf32>
      tpu.vector_store %arg16[%swap3A, %swap3A_52], %add3A_51 {strides = array<i32>} : memref<512x1024xf32, #tpu.memory_space<vmem>>, vector<512x128xf32>,
      %broadcast_in_dim3A = arith.constant 0.000000e+00 : f32
      %broadcast_in_dim3A_54 = vector.broadcast %broadcast_in_dim3A : f32 to vector<512x872xf32>
      %swap3A_55 = arith.constant 0 : index
      %swap3A_56 = arith.constant 128 : index
      %swap3A_57 = vector.load %arg16[%swap3A_55, %swap3A_56] : memref<512x1024xf32, #tpu.memory_space<vmem>>, vector<512x872xf32>
      tpu.vector_store %arg16[%swap3A_55, %swap3A_56], %broadcast_in_dim3A_54 {strides = array<i32>} : memref<512x1024xf32, #tpu.memory_space<vmem>>, vector<512x872xf32>,
    } else {
    }
    return
  }
  func.func @transform_0(%arg0: i32, %arg1: memref<10xi32, #tpu.memory_space<smem>>, %arg2: memref<10xi32, #tpu.memory_space<smem>>) -> (i32, i32) {
    %c0_i32 = arith.constant 0 : i32
    %c0_i32_0 = arith.constant 0 : i32
    return %arg0, %c0_i32 : i32, i32
  }
  func.func @transform_1(%arg0: i32, %arg1: memref<10xi32, #tpu.memory_space<smem>>, %arg2: memref<10xi32, #tpu.memory_space<smem>>) -> (i32, i32) {
    %c0_i32 = arith.constant 0 : i32
    %c0_i32_0 = arith.constant 0 : i32
    %c0_i32_1 = arith.constant 0 : i32
    return %c0_i32, %c0_i32_0 : i32, i32
  }
  func.func @transform_2(%arg0: i32, %arg1: memref<10xi32, #tpu.memory_space<smem>>, %arg2: memref<10xi32, #tpu.memory_space<smem>>) -> (i32, i32) {
    %c0_i32 = arith.constant 0 : i32
    %c0_i32_0 = arith.constant 0 : i32
    %c0_i32_1 = arith.constant 0 : i32
    return %c0_i32, %c0_i32_0 : i32, i32
  }
  func.func @transform_3(%arg0: i32, %arg1: memref<10xi32, #tpu.memory_space<smem>>, %arg2: memref<10xi32, #tpu.memory_space<smem>>) -> (i32, i32) {
    %c0_i32 = arith.constant 0 : i32
    %c0_i32_0 = arith.constant 0 : i32
    %c0_i32_1 = arith.constant 0 : i32
    return %c0_i32, %c0_i32_0 : i32, i32
  }
  func.func @transform_4(%arg0: i32, %arg1: memref<10xi32, #tpu.memory_space<smem>>, %arg2: memref<10xi32, #tpu.memory_space<smem>>) -> (i32, i32) {
    %c0_i32 = arith.constant 0 : i32
    %c0_i32_0 = arith.constant 0 : i32
    %c0_i32_1 = arith.constant 0 : i32
    return %c0_i32, %c0_i32_0 : i32, i32
  }
  func.func @transform_5(%arg0: i32, %arg1: memref<10xi32, #tpu.memory_space<smem>>, %arg2: memref<10xi32, #tpu.memory_space<smem>>) -> (i32, i32) {
    %c0_i32 = arith.constant 0 : i32
    %c0_i32_0 = arith.constant 0 : i32
    %c0_i32_1 = arith.constant 0 : i32
    return %c0_i32, %c0_i32_0 : i32, i32
  }
  func.func @transform_6(%arg0: i32, %arg1: memref<10xi32, #tpu.memory_space<smem>>, %arg2: memref<10xi32, #tpu.memory_space<smem>>) -> (i32, i32) {
    %c0_i32 = arith.constant 0 : i32
    %c0_i32_0 = arith.constant 0 : i32
    %c0_i32_1 = arith.constant 0 : i32
    return %c0_i32, %c0_i32_0 : i32, i32
  }
  func.func @transform_7(%arg0: i32, %arg1: memref<10xi32, #tpu.memory_space<smem>>, %arg2: memref<10xi32, #tpu.memory_space<smem>>) -> (i32, i32) {
    %c0_i32 = arith.constant 0 : i32
    %c0_i32_0 = arith.constant 0 : i32
    %c0_i32_1 = arith.constant 0 : i32
    return %c0_i32, %c0_i32_0 : i32, i32
  }
  func.func @transform_8(%arg0: i32, %arg1: memref<10xi32, #tpu.memory_space<smem>>, %arg2: memref<10xi32, #tpu.memory_space<smem>>) -> (i32, i32) {
    %c0_i32 = arith.constant 0 : i32
    %c0_i32_0 = arith.constant 0 : i32
    %c0_i32_1 = arith.constant 0 : i32
    return %c0_i32, %c0_i32_0 : i32, i32
  }
  func.func @transform_9(%arg0: i32, %arg1: memref<10xi32, #tpu.memory_space<smem>>, %arg2: memref<10xi32, #tpu.memory_space<smem>>) -> (i32, i32) {
    %c0_i32 = arith.constant 0 : i32
    %c0_i32_0 = arith.constant 0 : i32
    %c0_i32_1 = arith.constant 0 : i32
    return %c0_i32, %c0_i32_0 : i32, i32
  }
  func.func @transform_10(%arg0: i32, %arg1: memref<10xi32, #tpu.memory_space<smem>>, %arg2: memref<10xi32, #tpu.memory_space<smem>>) -> (i32, i32) {
    %c0_i32 = arith.constant 0 : i32
    %c0_i32_0 = arith.constant 0 : i32
    %c0_i32_1 = arith.constant 0 : i32
    return %c0_i32, %c0_i32_0 : i32, i32
  }
  func.func @transform_11(%arg0: i32, %arg1: memref<10xi32, #tpu.memory_space<smem>>, %arg2: memref<10xi32, #tpu.memory_space<smem>>) -> (i32, i32) {
    %c0_i32 = arith.constant 0 : i32
    %c0_i32_0 = arith.constant 0 : i32
    %c0_i32_1 = arith.constant 0 : i32
    return %c0_i32, %c0_i32_0 : i32, i32
  }
  func.func @transform_12(%arg0: i32, %arg1: memref<10xi32, #tpu.memory_space<smem>>, %arg2: memref<10xi32, #tpu.memory_space<smem>>) -> (i32, i32) {
    %c0_i32 = arith.constant 0 : i32
    %c0_i32_0 = arith.constant 0 : i32
    %c0_i32_1 = arith.constant 0 : i32
    return %c0_i32, %c0_i32_0 : i32, i32
  }
  func.func @transform_13(%arg0: i32, %arg1: memref<10xi32, #tpu.memory_space<smem>>, %arg2: memref<10xi32, #tpu.memory_space<smem>>) -> (i32, i32) {
    %c0_i32 = arith.constant 0 : i32
    %c0_i32_0 = arith.constant 0 : i32
    return %arg0, %c0_i32 : i32, i32
  }
}

</mosaic_0001>

<sc_bundles>
// kernel: kernel.5.cloned.1.call-start
scs
__scs_entry_jumppad:
0x0: {  	(pc) =	sbr.rel $0x88, $3  }
0x1: {  	(tag) =	ssettag $0x0;
	lr =	simm.s32 $0x1  }
0x2: {  	[smem:$0x3F93] =	sst lr;
	_ =	strace $0xD0000000  }
0x3: {  	_ = 	snop  }
0x4: {  	_ = 	snop  }
0x5: {  	_ = 	snop  }
0x6: {  	_ = 	snop  }
0x7: {  	_ = 	snop  }
__scs_overlays_trampoline_lowered:
0x8: {  	[smem:$0x3FA2] =	sst s0  }
0x9: {  	[smem:$0x3FA3] =	sst s1  }
0xa: {  	[smem:$0x3FA4] =	sst s2  }
0xb: {  	[smem:$0x3FA5] =	sst s3  }
0xc: {  	[smem:$0x3FA6] =	sst s4  }
0xd: {  	[smem:$0x3FA7] =	sst s5  }
0xe: {  	[smem:$0x3FA8] =	sst s6  }
0xf: {  	[smem:$0x3FA9] =	sst s7  }
0x10: {  	[smem:$0x3FAA] =	sst s8  }
0x11: {  	[smem:$0x3FAB] =	sst s9;
	s0 =	simm.s32 @!p0 $0x0  }
0x12: {  	s1 =	sld [smem:$0x3F91];
	s0 =	simm.s32 @p0 $0x1  }
0x13: {  	[smem:$0x3FAC] =	sst s0;
	s0 =	simm.s32 @!p1 $0x0  }
0x14: {  	s2 =	sld [smem:$0x3F90];
	s0 =	simm.s32 @p1 $0x1  }
0x15: {  	[smem:$0x3FAD] =	sst s0;
	s0 =	simm.s32 @!p2 $0x0  }
0x16: {  	s3 =	sld [smem:$0x3FDB];
	s0 =	simm.s32 @p2 $0x1  }
0x17: {  	s4 =	simm.s32 $0x1BF5;
	[smem:$0x3FAF] =	sst s0  }
0x18: {  	s0 =	sld [smem:$0x3F92];
	_ =	swait.ge [sflag:s4], $0x0  }
0x19: {  	s7 =	sld [smem:$0x3F93]  }
0x1a: {  	s8 =	sadd.s32 $0xFFFFE003, lr  }
0x1b: {  	s9 =	sadd.s32 $0xFFFFFEF7, lr;
	s5 =	simm.s32 $0xFFFFFFFF;
	p2 =	slt.u32 s8, $0xFFFFF086  }
0x1c: {  	p1 =	slt.u32 s9, $0xF7A;
	s5 =	simm.s32 @!p2 $0x0  }
0x1d: {  	s5 =	simm.s32 @p1 $0x1;
	p0 =	seq.s32 s7, s2  }
0x1e: {  	s7 =	smul.u32 @!p0 $0xF7A, s2;
	p2 =	seq.s32 @!p0 s5, $0x0  }
0x1f: {  	s9 =	smul.u32 $0xF7A, s1;
	s8 =	simm.s32 @!p0 $0x1BF5;
	p2 =	por !p2, p0  }
0x20: {  	[sflag:s8] =	ssyncset.s32 @!p0 $0xFFFFF086;
	s6 =	sadd.s32 @!p0 s3, s7;
	s7 =	simm.s32 @!p0 $0x108  }
0x21: {  	s3 =	sadd.s32 s3, s9;
	s6 =	sadd.s32 @!p0 $0x88, s6;
	s7 =	simm.s32 @p2 $0x1082  }
0x22: {  	[simem:s7], [sflag:s8] =	dma.local @!p0 [hbm:s6], $0xF7A  }
0x23: {  	s9 =	sor.u32 $0xD0000000, s2;
	s6 =	simm.s32 $0x108;
	_ =	swait.ge @!p0 [sflag:s8], $0x0  }
0x24: {  	s3 =	sadd.s32 $0x88, s3;
	s6 =	simm.s32 @!p1 $0x1082;
	[sflag:s4] =	ssyncset.s32 $0xFFFFF086  }
0x25: {  	[simem:s6], [sflag:s4] =	dma.local [hbm:s3], $0xF7A  }
0x26: {  	[smem:$0x3F93] =	sst s1;
	(tag) =	ssettag s2;
	_ =	strace s9  }
0x27: {  	s1 =	sld [smem:$0x3FA3]  }
0x28: {  	s2 =	sld [smem:$0x3FA4]  }
0x29: {  	s4 =	sld [smem:$0x3FA6]  }
0x2a: {  	p0 =	seq.s32 s5, $0x0;
	s5 =	sld [smem:$0x3FA7]  }
0x2b: {  	s6 =	sld [smem:$0x3FA8]  }
0x2c: {  	s7 =	sld [smem:$0x3FA9]  }
0x2d: {  	s3 =	simm.s32 $0x108;
	s8 =	sld [smem:$0x3FAA]  }
0x2e: {  	s3 =	simm.s32 @!p0 $0x1082;
	s9 =	sld [smem:$0x3FAB]  }
0x2f: {  	lr =	sadd.s32 s0, s3;
	s0 =	sld [smem:$0x3FA2]  }
0x30: {  	s3 =	sld [smem:$0x3FA5]  }
0x31: {  	[smem:$0x3FAE] =	sst s10  }
0x32: {  	s10 =	sld [smem:$0x3FAC];
	_ =	sdelay $0x3  }
0x33: {  	p0 =	seq.s32 s10, $0x1;
	s10 =	sld [smem:$0x3FAE];
	_ =	sdelay $0x3  }
0x34: {  	[smem:$0x3FAE] =	sst s10  }
0x35: {  	s10 =	sld [smem:$0x3FAD];
	_ =	sdelay $0x3  }
0x36: {  	p1 =	seq.s32 s10, $0x1;
	s10 =	sld [smem:$0x3FAE];
	_ =	sdelay $0x3  }
0x37: {  	[smem:$0x3FAE] =	sst s10  }
0x38: {  	s10 =	sld [smem:$0x3FAF]  }
0x39: {  	_ = 	snop;
	(pc) =	sbr.ind lr, $3  }
0x3a: {  	_ = 	snop  }
0x3b: {  	_ = 	snop  }
0x3c: {  	p2 =	seq.s32 s10, $0x1;
	s10 =	sld [smem:$0x3FAE]  }
0x3d: {  	_ =	shalt  }
0x3e: {  	_ =	shalt  }
0x3f: {  	_ =	shalt  }
0x40: {  	_ =	shalt  }
0x41: {  	_ =	shalt  }
0x42: {  	_ =	shalt  }
0x43: {  	_ =	shalt  }
0x44: {  	_ =	shalt  }
0x45: {  	_ =	shalt  }
0x46: {  	_ =	shalt  }
0x47: {  	_ =	shalt  }
0x48: {  	_ =	shalt  }
0x49: {  	_ =	shalt  }
0x4a: {  	_ =	shalt  }
0x4b: {  	_ =	shalt  }
0x4c: {  	_ =	shalt  }
0x4d: {  	_ =	shalt  }
0x4e: {  	_ =	shalt  }
0x4f: {  	_ =	shalt  }
0x50: {  	_ =	shalt  }
0x51: {  	_ =	shalt  }
0x52: {  	_ =	shalt  }
0x53: {  	_ =	shalt  }
0x54: {  	_ =	shalt  }
0x55: {  	_ =	shalt  }
0x56: {  	_ =	shalt  }
0x57: {  	_ =	shalt  }
0x58: {  	_ =	shalt  }
0x59: {  	_ =	shalt  }
0x5a: {  	_ =	shalt  }
0x5b: {  	_ =	shalt  }
0x5c: {  	_ =	shalt  }
0x5d: {  	_ =	shalt  }
0x5e: {  	_ =	shalt  }
0x5f: {  	_ =	shalt  }
0x60: {  	_ =	shalt  }
0x61: {  	_ =	shalt  }
0x62: {  	_ =	shalt  }
0x63: {  	_ =	shalt  }
0x64: {  	_ =	shalt  }
0x65: {  	_ =	shalt  }
0x66: {  	_ =	shalt  }
0x67: {  	_ =	shalt  }
0x68: {  	_ =	shalt  }
0x69: {  	_ =	shalt  }
0x6a: {  	_ =	shalt  }
0x6b: {  	_ =	shalt  }
0x6c: {  	_ =	shalt  }
0x6d: {  	_ =	shalt  }
0x6e: {  	_ =	shalt  }
0x6f: {  	_ =	shalt  }
0x70: {  	_ =	shalt  }
0x71: {  	_ =	shalt  }
0x72: {  	_ =	shalt  }
0x73: {  	_ =	shalt  }
0x74: {  	_ =	shalt  }
0x75: {  	_ =	shalt  }
0x76: {  	_ =	shalt  }
0x77: {  	_ =	shalt  }
0x78: {  	_ =	shalt  }
0x79: {  	_ =	shalt  }
0x7a: {  	_ =	shalt  }
0x7b: {  	_ =	shalt  }
0x7c: {  	_ =	shalt  }
0x7d: {  	_ =	shalt  }
0x7e: {  	_ =	shalt  }
0x7f: {  	_ =	shalt  }
0x80: {  	_ =	shalt  }
0x81: {  	_ =	shalt  }
0x82: {  	_ =	shalt  }
0x83: {  	_ =	shalt  }
0x84: {  	_ =	shalt  }
0x85: {  	_ =	shalt  }
0x86: {  	_ =	shalt  }
0x87: {  	_ =	shalt  }
.Lfunc_end0:
.L_simem_size_0:
called_computation_lowered:
.L_overlay_start_0:
0x88: {  	s2 =	sld [smem:$0x3FD9]  }
0x89: {  	s3 =	sld [smem:$0x3FFE];
	_ =	sdelay $0x1  }
0x8a: {  	s1 =	srdreg.scid  }
0x8b: {  	s0 =	sand.u32 $0x1, s1  }
0x8c: {  	s17 =	sshll.u32 s0, $0xA;
	s2 =	sadd.s32 s3, s2  }
0x8d: {  	s2 =	sadd.s32 s2, s17  }
0x8e: {  	[smem:$0x3FBA] =	sst s2  }
0x8f: {  	_ = 	snop  }
0x90: {  	s2 =	sld [smem:$0x3FC9]  }
0x91: {  	s18 =	sld [smem:$0x3FD0];
	(tm) =	ssettm $0x1  }
0x92: {  	s4 =	sld [smem:$0x3FFB];
	_ =	sdelay $0x3  }
0x93: {  	_ =	strace s4  }
0x94: {  	s4 =	sld [smem:$0x3FFC];
	_ =	sdelay $0x3  }
0x95: {  	_ =	strace s4  }
0x96: {  	s4 =	sld [smem:$0x3FFD];
	_ =	sdelay $0x3  }
0x97: {  	_ =	strace s4  }
0x98: {  	_ =	strace $0x8FFFFFFF  }
0x99: {  	s19 =	sld [smem:$0x3FDB];
	_ =	sdelay $0x1  }
0x9a: {  	s5 =	simm.s32 $_scs_section_size  }
0x9b: {  	s6 =	simm.s32 $_size__tile_overlayer_lowered;
	s7 =	simm.s32 $_tile_overlayer_lowered  }
0x9c: {  	s22 =	simm.s32 $0x1BFF;
	s21 =	sshll.u32 s7, $0x1;
	s4 =	sadd.s32 s5, s19  }
0x9d: {  	s8 =	simm.s32 $0x0;
	s20 =	sshll.u32 s6, $0x1;
	s6 =	sadd.s32 s21, s4  }
0x9e: {  	[timem:s8], [sflag:s22] =	dma.local [hbm:s6], s20  }
0x9f: {  	_ =	swait.ge [sflag:s22], s20  }
0xa0: {  	s5 =	ssub.s32 $0x0, s20;
	[sflag:s22] =	ssyncset.done $0x0  }
0xa1: {  	[sflag:s22] =	ssyncadd.s32 s5;
	_ =	sdelay $0x1  }
0xa2: {  	s23 =	simm.s32 $0x1B8B  }
0xa3: {  	_ =	swait.ge [sflag:s23], $0x1  }
0xa4: {  	[sflag:s23] =	ssyncset.done $0x0  }
0xa5: {  	s25 =	simm.s32 $0x1B8E;
	s24 =	sld [smem:$0x3FFE];
	[sflag:s23] =	ssyncadd.s32 $0xFFFFFFFF  }
0xa6: {  	s26 =	simm.s32 $execute0_lowered;
	[smem:$0x3FD2] =	sst s25  }
0xa7: {  	s6 =	sshll.u32 s26, $0x1;
	_ =	strace $0x80000046;
	[dreg:$0x1] =	wrdreg $0xFFFFFFFF  }
0xa8: {  	s28 =	simm.s32 $_size_execute0_lowered;
	s4 =	sadd.s32 s4, s6;
	[dreg:$0x0] =	wrdreg $0x0  }
0xa9: {  	s6 =	sshll.u32 s28, $0x1;
	[dreg:$0x2] =	wrdreg s4  }
0xaa: {  	[dreg:$0x3] =	wrdreg s6  }
0xab: {  	[dreg:$0x4] =	wrdreg $0xC0  }
0xac: {  	_ =	task [dreg:s8], $0x5FFFF  }
0xad: {  	[dreg:$0x1] =	wrdreg $0xFFFFFFFF  }
0xae: {  	[dreg:$0x0] =	wrdreg $0x60  }
0xaf: {  	[dreg:$0x2] =	wrdreg s2  }
0xb0: {  	[dreg:$0x3] =	wrdreg s24  }
0xb1: {  	[dreg:$0x4] =	wrdreg s18  }
0xb2: {  	[dreg:$0x5] =	wrdreg $0x144000  }
0xb3: {  	[dreg:$0x6] =	wrdreg $0x9  }
0xb4: {  	_ =	task.clear_ibuf [dreg:s8], $0x7FFFF;
	_ =	strace $0x90000046  }
0xb5: {  	s29 =	simm.s32 $0x9;
	_ =	strace $0x80000048  }
0xb6: {  	_ =	swait.ge [sflag:s29], $0x1  }
0xb7: {  	[sflag:s29] =	ssyncadd.s32 $0xFFFFFFFF  }
0xb8: {  	_ =	strace $0x90000048  }
0xb9: {  	_ =	sfence  }
0xba: {  	s30 =	sld [smem:$0x0];
	_ =	sdelay $0x2  }
0xbb: {  	s31 =	sshll.u32 s1, $0xD;
	s1 =	sshrl.u32 s1, $0x2  }
0xbc: {  	s3 =	sand.u32 $0x4000, s31;
	s1 =	sadd.s32 s1, s30  }
0xbd: {  	s0 =	sor.u32 s3, s0;
	s1 =	sshll.u32 s1, $0x11  }
0xbe: {  	s0 =	sor.u32 s1, s0  }
0xbf: {  	s0 =	sadd.s32 $0x8F2B, s0  }
0xc0: {  	[sflag:s0] =	ssyncadd.remote.s32 $0x1  }
0xc1: {  	_ =	sfence.sel $0xFFFF  }
0xc2: {  	[dreg:$0x0] =	wrdreg $0xFFFFFFFF;
	(pc) =	sbr.abs _section_cstart, $3  }
0xc3: {  	[dreg:$0x1] =	wrdreg $0xFFFFFFFF  }
0xc4: {  	_ =	task.clear_ibuf [dreg:s8], $0x2FFFF;
	_ =	strace $0x9FFFFFFF  }
0xc5: {  	(tm) =	ssettm $0x7FFFFFFF  }
tec
execute0_lowered:
.L_overlay_start_1:
0x0: {  	(tag) =	ssettag $0x1  }
0x1: {  	s1 =	rddreg [dreg:$0x0]  }
0x2: {  	s0 =	rddreg [dreg:$0x1]  }
0x3: {  	s2 =	rddreg [dreg:$0x2]  }
0x4: {  	s10 =	rddreg [dreg:$0x3];
	s4 =	simm.s32 $0x0;
	s9 =	stileid.u32  }
0x5: {  	s6 =	srdreg.scid;
	s26 =	simm.s32 $0x180;
	s12 =	simm.s32 $0x1C00  }
0x6: {  	s13 =	simm.s32 $0x2400;
	s15 =	simm.s32 $0x2C00;
	s16 =	simm.s32 $0x3400  }
0x7: {  	s17 =	simm.s32 $0x3C00;
	s28 =	simm.s32 $0x8C00;
	s29 =	simm.s32 $0x9400  }
0x8: {  	s30 =	simm.s32 $0x9C00;
	s31 =	simm.s32 $0xA400;
	s14 =	simm.s32 $0xAC00  }
0x9: {  	[smem:$0x7FF] =	sst s4;
	s3 =	smul.u32 $0x140, s9;
	s5 =	sshll.u32 s9, $0x5  }
0xa: {  	s6 =	sand.u32 $0x1, s6;
	s9 =	sshll.u32 s9, $0x1;
	_ =	strace $0x80000047  }
0xb: {  	s5 =	sadd.s32 s5, s0;
	s8 =	ssub.s32 $0x2, s6;
	s6 =	sor.u32 s6, s9  }
0xc: {  	s0 =	sadd.s32 $0x600, s0;
	[dreg:$0xd] =	wrdreg s26;
	s26 =	simm.s32 $0x8400  }
0xd: {  	s7 =	sshrl.u32 s3, $0x3;
	s18 =	sadd.s32 s3, s10;
	s19 =	sadd.s32 $0x400, s5  }
0xe: {  	s20 =	smul.u32 $0xA0, s6;
	s21 =	sshrl.u32 s8, $0x1;
	[dreg:$0x6] =	wrdreg s18  }
0xf: {  	s22 =	sadd.s32 $0x200, s5;
	s6 =	smul.u32 $0x5000, s6;
	[dreg:$0x7] =	wrdreg s19  }
0x10: {  	s5 =	sadd.s32 $0x100, s1;
	s2 =	sadd.s32 s2, s7;
	[dreg:$0x8] =	wrdreg s22  }
0x11: {  	s8 =	ssub.s32 s8, s21;
	s7 =	sadd.s32 $0x300, s1;
	s18 =	simm.s32 $0x4400  }
0x12: {  	s19 =	simm.s32 $0x4C00;
	s21 =	simm.s32 $0x5C00;
	s22 =	simm.s32 $0x6400  }
0x13: {  	[dreg:$0x5] =	wrdreg s2;
	s23 =	sadd.s32 s20, s10;
	s24 =	sadd.s32 s0, s6  }
0x14: {  	s3 =	sadd.s32 $0x50, s20;
	s6 =	sadd.s32 $0x200, s1;
	[dreg:$0x9] =	wrdreg s23  }
0x15: {  	s8 =	smax.u32 s8, $0x1;
	s20 =	simm.s32 $0x5400;
	[dreg:$0xa] =	wrdreg s24  }
0x16: {  	v2 =	vlaneseq.u32;
	s25 =	sadd.s32 s3, s10;
	s3 =	sshll.u32 s3, $0x7;
	s10 =	simm.s32 $0x2  }
0x17: {  	vm0 =	vmmov $0xffff;
	v1 =	vshrl.u32 v2, $0x3;
	s23 =	simm.s32 $0x6C00;
	[dreg:$0xb] =	wrdreg s25;
	s0 =	sadd.s32 s0, s3  }
0x18: {  	v0 =	vand.u32 $0x7, v2;
	v2 =	vor.u32 $0x8, v2;
	v1 =	vmul.u32 $0x8, v1;
	s24 =	simm.s32 $0x7400;
	s25 =	simm.s32 $0x7C00;
	[dreg:$0xc] =	wrdreg s0  }
.LBB2_1:
0x19: {  	s2 =	rddreg [dreg:$0x5];
	s3 =	simm.s32 $0x200  }
0x1a: {  	[tilespmem:s3], [sflag:$0x2] =	stream.linear.gather [hbm4b:s2+s4], $0x140, $0x38;
	[tilespmem:$0x14540] =	vst v63  }
0x1b: {  	_ =	swait.ge [sflag:s10], $0x140  }
0x1c: {  	[sflag:s10] =	ssyncset.done $0x0  }
0x1d: {  	s9 =	rddreg [dreg:$0x6];
	[sflag:s10] =	ssyncadd.s32 $0xFFFFFEC0  }
0x1e: {  	[spmem:s9] =	stream.linear.scatter [tilespmem:s3], [sflag:$0x2], $0x140, $0x38;
	[tilespmem:$0x14540] =	vst v63  }
0x1f: {  	_ =	swait.ge [sflag:s10], $0x140  }
0x20: {  	[sflag:s10] =	ssyncset.done $0x0  }
0x21: {  	s11 =	rddreg [dreg:$0x7];
	[sflag:s10] =	ssyncadd.s32 $0xFFFFFEC0  }
0x22: {  	[tilespmem:s4], [sflag:$0x2] =	stream.linear.gather [hbm4b:s11+s4], $0x100, $0x38;
	[tilespmem:$0x14540] =	vst v63  }
0x23: {  	_ =	swait.ge [sflag:s10], $0x100  }
0x24: {  	[sflag:s10] =	ssyncset.done $0x0  }
0x25: {  	s9 =	simm.s32 $0x100;
	s0 =	rddreg [dreg:$0x8];
	[sflag:s10] =	ssyncadd.s32 $0xFFFFFF00  }
0x26: {  	[tilespmem:s9], [sflag:$0x2] =	stream.linear.gather [hbm4b:s0+s4], $0x100, $0x38;
	[tilespmem:$0x14540] =	vst v63  }
0x27: {  	_ =	swait.ge [sflag:s10], $0x100  }
0x28: {  	[sflag:s10] =	ssyncset.done $0x0  }
0x29: {  	[sflag:s10] =	ssyncadd.s32 $0xFFFFFF00  }
0x2a: {  	s11 =	simm.s32 $0x80;
	s2 =	rddreg [dreg:$0x3]  }
0x2b: {  	[spmem:s2] =	stream.indirect.scatter [tilespmem:s9], [sflag:$0x2], $0x1, s4, s11, $0xb8;
	[tilespmem:$0x14540] =	vst v63  }
0x2c: {  	_ =	swait.ge [sflag:s10], $0x80  }
0x2d: {  	[sflag:s10] =	ssyncset.done $0x0  }
0x2e: {  	s9 =	rddreg [dreg:$0xd];
	[sflag:s10] =	ssyncadd.s32 $0xFFFFFF80  }
0x2f: {  	[spmem:s2] =	stream.indirect.scatter [tilespmem:s9], [sflag:$0x2], $0x1, s11, s11, $0xb8;
	[tilespmem:$0x14540] =	vst v63  }
0x30: {  	_ =	swait.ge [sflag:s10], $0x80  }
0x31: {  	[sflag:s10] =	ssyncset.done $0x0  }
0x32: {  	[sflag:s10] =	ssyncadd.s32 $0xFFFFFF80  }
0x33: {  	[bflag:$0x0] =	sbarrier.arrive $0xFFFF  }
0x34: {  	s0 =	simm.s32 $0x380;
	s11 =	rddreg [dreg:$0x9]  }
0x35: {  	[tilespmem:s0], [sflag:$0x2] =	stream.linear.gather [spmem:s11], $0x50, $0x38;
	[tilespmem:$0x14540] =	vst v63  }
0x36: {  	_ =	swait.ge [sflag:s10], $0x50  }
0x37: {  	[sflag:s10] =	ssyncset.done $0x0  }
0x38: {  	[sflag:s10] =	ssyncadd.s32 $0xFFFFFFB0  }
0x39: {  	v3 =	vld [tilespmem:$0x380];
	_ =	sdelay $0x4  }
0x3a: {  	v4 =	vshll.u32 v3, $0x3  }
0x3b: {  	v3 =	vand.u32 $0x7, v3;
	v4 =	vand.u32 $0xFFFFFFC0, v4  }
0x3c: {  	v3 =	vor.u32 v3, v4  }
0x3d: {  	v4 =	vperm.xlane v3, v0;
	_ =	sdelay $0x1  }
0x3e: {  	v4 =	vadd.s32 v1, v4;
	_ =	sdelay $0x3  }
0x3f: {  	s3 =	simm.s32 $0x400  }
0x40: {  	[tilespmem:s3], [sflag:$0x1] =	stream.indirect_vreg.gather [hbm4b:s1+s4], $0x80, v4, vm0, $0xb8;
	[tilespmem:$0x14540] =	vst v63  }
0x41: {  	s2 =	simm.s32 $0xC00;
	v3 =	vperm.xlane v3, v2  }
0x42: {  	[tilespmem:s2], [sflag:$0x1] =	stream.indirect_vreg.gather [hbm4b:s5+s4], $0x80, v4, vm0, $0xb8;
	[tilespmem:$0x14540] =	vst v63  }
0x43: {  	s11 =	simm.s32 $0x1400;
	v3 =	vadd.s32 v1, v3  }
0x44: {  	[tilespmem:s11], [sflag:$0x1] =	stream.indirect_vreg.gather [hbm4b:s6+s4], $0x80, v4, vm0, $0xb8;
	[tilespmem:$0x14540] =	vst v63  }
0x45: {  	_ = 	snop  }
0x46: {  	[tilespmem:s12], [sflag:$0x1] =	stream.indirect_vreg.gather [hbm4b:s7+s4], $0x80, v4, vm0, $0xb8;
	[tilespmem:$0x14540] =	vst v63  }
0x47: {  	_ = 	snop  }
0x48: {  	[tilespmem:s13], [sflag:$0x1] =	stream.indirect_vreg.gather [hbm4b:s1+s4], $0x80, v3, vm0, $0xb8;
	[tilespmem:$0x14540] =	vst v63  }
0x49: {  	_ = 	snop  }
0x4a: {  	[tilespmem:s15], [sflag:$0x1] =	stream.indirect_vreg.gather [hbm4b:s5+s4], $0x80, v3, vm0, $0xb8;
	[tilespmem:$0x14540] =	vst v63  }
0x4b: {  	_ = 	snop  }
0x4c: {  	[tilespmem:s16], [sflag:$0x1] =	stream.indirect_vreg.gather [hbm4b:s6+s4], $0x80, v3, vm0, $0xb8;
	[tilespmem:$0x14540] =	vst v63  }
0x4d: {  	_ = 	snop  }
0x4e: {  	[tilespmem:s17], [sflag:$0x1] =	stream.indirect_vreg.gather [hbm4b:s7+s4], $0x80, v3, vm0, $0xb8;
	[tilespmem:$0x14540] =	vst v63  }
0x4f: {  	v3 =	vld [tilespmem:$0x390];
	_ =	sdelay $0x4  }
0x50: {  	v55 =	vshll.u32 v3, $0x3  }
0x51: {  	v3 =	vand.u32 $0x7, v3;
	v4 =	vand.u32 $0xFFFFFFC0, v55  }
0x52: {  	v3 =	vor.u32 v3, v4  }
0x53: {  	v4 =	vperm.xlane v3, v0;
	_ =	sdelay $0x1  }
0x54: {  	v4 =	vadd.s32 v1, v4;
	_ =	sdelay $0x4  }
0x55: {  	[tilespmem:s18], [sflag:$0x1] =	stream.indirect_vreg.gather [hbm4b:s1+s4], $0x80, v4, vm0, $0xb8;
	[tilespmem:$0x14540] =	vst v63  }
0x56: {  	v3 =	vperm.xlane v3, v2  }
0x57: {  	[tilespmem:s19], [sflag:$0x1] =	stream.indirect_vreg.gather [hbm4b:s5+s4], $0x80, v4, vm0, $0xb8;
	[tilespmem:$0x14540] =	vst v63  }
0x58: {  	v3 =	vadd.s32 v1, v3  }
0x59: {  	[tilespmem:s20], [sflag:$0x1] =	stream.indirect_vreg.gather [hbm4b:s6+s4], $0x80, v4, vm0, $0xb8;
	[tilespmem:$0x14540] =	vst v63  }
0x5a: {  	_ = 	snop  }
0x5b: {  	[tilespmem:s21], [sflag:$0x1] =	stream.indirect_vreg.gather [hbm4b:s7+s4], $0x80, v4, vm0, $0xb8;
	[tilespmem:$0x14540] =	vst v63  }
0x5c: {  	_ = 	snop  }
0x5d: {  	[tilespmem:s22], [sflag:$0x1] =	stream.indirect_vreg.gather [hbm4b:s1+s4], $0x80, v3, vm0, $0xb8;
	[tilespmem:$0x14540] =	vst v63  }
0x5e: {  	_ = 	snop  }
0x5f: {  	[tilespmem:s23], [sflag:$0x1] =	stream.indirect_vreg.gather [hbm4b:s5+s4], $0x80, v3, vm0, $0xb8;
	[tilespmem:$0x14540] =	vst v63  }
0x60: {  	_ = 	snop  }
0x61: {  	[tilespmem:s24], [sflag:$0x1] =	stream.indirect_vreg.gather [hbm4b:s6+s4], $0x80, v3, vm0, $0xb8;
	[tilespmem:$0x14540] =	vst v63  }
0x62: {  	_ = 	snop  }
0x63: {  	[tilespmem:s25], [sflag:$0x1] =	stream.indirect_vreg.gather [hbm4b:s7+s4], $0x80, v3, vm0, $0xb8;
	[tilespmem:$0x14540] =	vst v63  }
0x64: {  	v3 =	vld [tilespmem:$0x3A0];
	_ =	sdelay $0x4  }
0x65: {  	v56 =	vshll.u32 v3, $0x3  }
0x66: {  	v3 =	vand.u32 $0x7, v3;
	v4 =	vand.u32 $0xFFFFFFC0, v56  }
0x67: {  	v3 =	vor.u32 v3, v4  }
0x68: {  	v4 =	vperm.xlane v3, v0;
	_ =	sdelay $0x1  }
0x69: {  	v4 =	vadd.s32 v1, v4;
	_ =	sdelay $0x4  }
0x6a: {  	[tilespmem:s26], [sflag:$0x1] =	stream.indirect_vreg.gather [hbm4b:s1+s4], $0x80, v4, vm0, $0xb8;
	[tilespmem:$0x14540] =	vst v63  }
0x6b: {  	v3 =	vperm.xlane v3, v2  }
0x6c: {  	[tilespmem:s28], [sflag:$0x1] =	stream.indirect_vreg.gather [hbm4b:s5+s4], $0x80, v4, vm0, $0xb8;
	[tilespmem:$0x14540] =	vst v63  }
0x6d: {  	v3 =	vadd.s32 v1, v3  }
0x6e: {  	[tilespmem:s29], [sflag:$0x1] =	stream.indirect_vreg.gather [hbm4b:s6+s4], $0x80, v4, vm0, $0xb8;
	[tilespmem:$0x14540] =	vst v63  }
0x6f: {  	_ = 	snop  }
0x70: {  	[tilespmem:s30], [sflag:$0x1] =	stream.indirect_vreg.gather [hbm4b:s7+s4], $0x80, v4, vm0, $0xb8;
	[tilespmem:$0x14540] =	vst v63  }
0x71: {  	_ = 	snop  }
0x72: {  	[tilespmem:s31], [sflag:$0x1] =	stream.indirect_vreg.gather [hbm4b:s1+s4], $0x80, v3, vm0, $0xb8;
	[tilespmem:$0x14540] =	vst v63  }
0x73: {  	_ = 	snop  }
0x74: {  	[tilespmem:s14], [sflag:$0x1] =	stream.indirect_vreg.gather [hbm4b:s5+s4], $0x80, v3, vm0, $0xb8;
	[tilespmem:$0x14540] =	vst v63  }
0x75: {  	s9 =	simm.s32 $0xB400  }
0x76: {  	[tilespmem:s9], [sflag:$0x1] =	stream.indirect_vreg.gather [hbm4b:s6+s4], $0x80, v3, vm0, $0xb8;
	[tilespmem:$0x14540] =	vst v63  }
0x77: {  	s2 =	simm.s32 $0xBC00  }
0x78: {  	[tilespmem:s2], [sflag:$0x1] =	stream.indirect_vreg.gather [hbm4b:s7+s4], $0x80, v3, vm0, $0xb8;
	[tilespmem:$0x14540] =	vst v63  }
0x79: {  	v3 =	vld [tilespmem:$0x3B0];
	_ =	sdelay $0x4  }
0x7a: {  	v57 =	vshll.u32 v3, $0x3  }
0x7b: {  	v3 =	vand.u32 $0x7, v3;
	v4 =	vand.u32 $0xFFFFFFC0, v57  }
0x7c: {  	v3 =	vor.u32 v3, v4  }
0x7d: {  	v4 =	vperm.xlane v3, v0;
	_ =	sdelay $0x1  }
0x7e: {  	v4 =	vadd.s32 v1, v4;
	_ =	sdelay $0x3  }
0x7f: {  	s9 =	simm.s32 $0xC400  }
0x80: {  	[tilespmem:s9], [sflag:$0x1] =	stream.indirect_vreg.gather [hbm4b:s1+s4], $0x80, v4, vm0, $0xb8;
	[tilespmem:$0x14540] =	vst v63  }
0x81: {  	s2 =	simm.s32 $0xCC00;
	v3 =	vperm.xlane v3, v2  }
0x82: {  	[tilespmem:s2], [sflag:$0x1] =	stream.indirect_vreg.gather [hbm4b:s5+s4], $0x80, v4, vm0, $0xb8;
	[tilespmem:$0x14540] =	vst v63  }
0x83: {  	v3 =	vadd.s32 v1, v3;
	s9 =	simm.s32 $0xD400  }
0x84: {  	[tilespmem:s9], [sflag:$0x1] =	stream.indirect_vreg.gather [hbm4b:s6+s4], $0x80, v4, vm0, $0xb8;
	[tilespmem:$0x14540] =	vst v63  }
0x85: {  	s2 =	simm.s32 $0xDC00  }
0x86: {  	[tilespmem:s2], [sflag:$0x1] =	stream.indirect_vreg.gather [hbm4b:s7+s4], $0x80, v4, vm0, $0xb8;
	[tilespmem:$0x14540] =	vst v63  }
0x87: {  	s9 =	simm.s32 $0xE400  }
0x88: {  	[tilespmem:s9], [sflag:$0x1] =	stream.indirect_vreg.gather [hbm4b:s1+s4], $0x80, v3, vm0, $0xb8;
	[tilespmem:$0x14540] =	vst v63  }
0x89: {  	s2 =	simm.s32 $0xEC00  }
0x8a: {  	[tilespmem:s2], [sflag:$0x1] =	stream.indirect_vreg.gather [hbm4b:s5+s4], $0x80, v3, vm0, $0xb8;
	[tilespmem:$0x14540] =	vst v63  }
0x8b: {  	s9 =	simm.s32 $0xF400  }
0x8c: {  	[tilespmem:s9], [sflag:$0x1] =	stream.indirect_vreg.gather [hbm4b:s6+s4], $0x80, v3, vm0, $0xb8;
	[tilespmem:$0x14540] =	vst v63  }
0x8d: {  	s2 =	simm.s32 $0xFC00  }
0x8e: {  	[tilespmem:s2], [sflag:$0x1] =	stream.indirect_vreg.gather [hbm4b:s7+s4], $0x80, v3, vm0, $0xb8;
	[tilespmem:$0x14540] =	vst v63  }
0x8f: {  	v3 =	vld [tilespmem:$0x3C0];
	_ =	sdelay $0x4  }
0x90: {  	v58 =	vshll.u32 v3, $0x3  }
0x91: {  	v3 =	vand.u32 $0x7, v3;
	v4 =	vand.u32 $0xFFFFFFC0, v58  }
0x92: {  	v3 =	vor.u32 v3, v4  }
0x93: {  	v4 =	vperm.xlane v3, v0;
	_ =	sdelay $0x1  }
0x94: {  	v4 =	vadd.s32 v1, v4;
	_ =	sdelay $0x3  }
0x95: {  	s9 =	simm.s32 $0x10400  }
0x96: {  	[tilespmem:s9], [sflag:$0x1] =	stream.indirect_vreg.gather [hbm4b:s1+s4], $0x80, v4, vm0, $0xb8;
	[tilespmem:$0x14540] =	vst v63  }
0x97: {  	s2 =	simm.s32 $0x10C00;
	v3 =	vperm.xlane v3, v2  }
0x98: {  	[tilespmem:s2], [sflag:$0x1] =	stream.indirect_vreg.gather [hbm4b:s5+s4], $0x80, v4, vm0, $0xb8;
	[tilespmem:$0x14540] =	vst v63  }
0x99: {  	v3 =	vadd.s32 v1, v3;
	s9 =	simm.s32 $0x11400  }
0x9a: {  	[tilespmem:s9], [sflag:$0x1] =	stream.indirect_vreg.gather [hbm4b:s6+s4], $0x80, v4, vm0, $0xb8;
	[tilespmem:$0x14540] =	vst v63  }
0x9b: {  	s2 =	simm.s32 $0x11C00  }
0x9c: {  	[tilespmem:s2], [sflag:$0x1] =	stream.indirect_vreg.gather [hbm4b:s7+s4], $0x80, v4, vm0, $0xb8;
	[tilespmem:$0x14540] =	vst v63  }
0x9d: {  	s9 =	simm.s32 $0x12400  }
0x9e: {  	[tilespmem:s9], [sflag:$0x1] =	stream.indirect_vreg.gather [hbm4b:s1+s4], $0x80, v3, vm0, $0xb8;
	[tilespmem:$0x14540] =	vst v63  }
0x9f: {  	s2 =	simm.s32 $0x12C00  }
0xa0: {  	[tilespmem:s2], [sflag:$0x1] =	stream.indirect_vreg.gather [hbm4b:s5+s4], $0x80, v3, vm0, $0xb8;
	[tilespmem:$0x14540] =	vst v63  }
0xa1: {  	s9 =	simm.s32 $0x13400  }
0xa2: {  	[tilespmem:s9], [sflag:$0x1] =	stream.indirect_vreg.gather [hbm4b:s6+s4], $0x80, v3, vm0, $0xb8;
	[tilespmem:$0x14540] =	vst v63  }
0xa3: {  	s0 =	simm.s32 $0x1;
	s2 =	simm.s32 $0x13C00  }
0xa4: {  	[tilespmem:s2], [sflag:$0x1] =	stream.indirect_vreg.gather [hbm4b:s7+s4], $0x80, v3, vm0, $0xb8;
	[tilespmem:$0x14540] =	vst v63  }
0xa5: {  	_ =	swait.ge [sflag:s0], $0x14000  }
0xa6: {  	[sflag:s0] =	ssyncset.done $0x0  }
0xa7: {  	s9 =	rddreg [dreg:$0xa];
	[sflag:s0] =	ssyncadd.s32 $0xFFFEC000  }
0xa8: {  	[hbm4b:s9+s4] =	stream.linear.scatter [tilespmem:s3], [sflag:$0x2], $0x14000, $0x38;
	[tilespmem:$0x14540] =	vst v63  }
0xa9: {  	_ =	swait.ge [sflag:s10], $0x14000  }
0xaa: {  	[sflag:s10] =	ssyncset.done $0x0  }
0xab: {  	s9 =	simm.s32 $0x380;
	s2 =	rddreg [dreg:$0xb];
	[sflag:s10] =	ssyncadd.s32 $0xFFFEC000  }
0xac: {  	[tilespmem:s9], [sflag:$0x2] =	stream.linear.gather [spmem:s2], $0x50, $0x38;
	[tilespmem:$0x14540] =	vst v63  }
0xad: {  	_ =	swait.ge [sflag:s10], $0x50  }
0xae: {  	[sflag:s10] =	ssyncset.done $0x0  }
0xaf: {  	[sflag:s10] =	ssyncadd.s32 $0xFFFFFFB0  }
0xb0: {  	v3 =	vld [tilespmem:$0x380];
	_ =	sdelay $0x4  }
0xb1: {  	v59 =	vshll.u32 v3, $0x3  }
0xb2: {  	v3 =	vand.u32 $0x7, v3;
	v4 =	vand.u32 $0xFFFFFFC0, v59  }
0xb3: {  	v3 =	vor.u32 v3, v4  }
0xb4: {  	v4 =	vperm.xlane v3, v0;
	_ =	sdelay $0x1  }
0xb5: {  	v4 =	vadd.s32 v1, v4;
	_ =	sdelay $0x4  }
0xb6: {  	[tilespmem:s3], [sflag:$0x1] =	stream.indirect_vreg.gather [hbm4b:s1+s4], $0x80, v4, vm0, $0xb8;
	[tilespmem:$0x14540] =	vst v63  }
0xb7: {  	s9 =	simm.s32 $0xC00;
	v3 =	vperm.xlane v3, v2  }
0xb8: {  	[tilespmem:s9], [sflag:$0x1] =	stream.indirect_vreg.gather [hbm4b:s5+s4], $0x80, v4, vm0, $0xb8;
	[tilespmem:$0x14540] =	vst v63  }
0xb9: {  	v3 =	vadd.s32 v1, v3  }
0xba: {  	[tilespmem:s11], [sflag:$0x1] =	stream.indirect_vreg.gather [hbm4b:s6+s4], $0x80, v4, vm0, $0xb8;
	[tilespmem:$0x14540] =	vst v63  }
0xbb: {  	_ = 	snop  }
0xbc: {  	[tilespmem:s12], [sflag:$0x1] =	stream.indirect_vreg.gather [hbm4b:s7+s4], $0x80, v4, vm0, $0xb8;
	[tilespmem:$0x14540] =	vst v63  }
0xbd: {  	_ = 	snop  }
0xbe: {  	[tilespmem:s13], [sflag:$0x1] =	stream.indirect_vreg.gather [hbm4b:s1+s4], $0x80, v3, vm0, $0xb8;
	[tilespmem:$0x14540] =	vst v63  }
0xbf: {  	_ = 	snop  }
0xc0: {  	[tilespmem:s15], [sflag:$0x1] =	stream.indirect_vreg.gather [hbm4b:s5+s4], $0x80, v3, vm0, $0xb8;
	[tilespmem:$0x14540] =	vst v63  }
0xc1: {  	_ = 	snop  }
0xc2: {  	[tilespmem:s16], [sflag:$0x1] =	stream.indirect_vreg.gather [hbm4b:s6+s4], $0x80, v3, vm0, $0xb8;
	[tilespmem:$0x14540] =	vst v63  }
0xc3: {  	_ = 	snop  }
0xc4: {  	[tilespmem:s17], [sflag:$0x1] =	stream.indirect_vreg.gather [hbm4b:s7+s4], $0x80, v3, vm0, $0xb8;
	[tilespmem:$0x14540] =	vst v63  }
0xc5: {  	v3 =	vld [tilespmem:$0x390];
	_ =	sdelay $0x4  }
0xc6: {  	v60 =	vshll.u32 v3, $0x3  }
0xc7: {  	v3 =	vand.u32 $0x7, v3;
	v4 =	vand.u32 $0xFFFFFFC0, v60  }
0xc8: {  	v3 =	vor.u32 v3, v4  }
0xc9: {  	v4 =	vperm.xlane v3, v0;
	_ =	sdelay $0x1  }
0xca: {  	v4 =	vadd.s32 v1, v4;
	_ =	sdelay $0x4  }
0xcb: {  	[tilespmem:s18], [sflag:$0x1] =	stream.indirect_vreg.gather [hbm4b:s1+s4], $0x80, v4, vm0, $0xb8;
	[tilespmem:$0x14540] =	vst v63  }
0xcc: {  	v3 =	vperm.xlane v3, v2  }
0xcd: {  	[tilespmem:s19], [sflag:$0x1] =	stream.indirect_vreg.gather [hbm4b:s5+s4], $0x80, v4, vm0, $0xb8;
	[tilespmem:$0x14540] =	vst v63  }
0xce: {  	v3 =	vadd.s32 v1, v3  }
0xcf: {  	[tilespmem:s20], [sflag:$0x1] =	stream.indirect_vreg.gather [hbm4b:s6+s4], $0x80, v4, vm0, $0xb8;
	[tilespmem:$0x14540] =	vst v63  }
0xd0: {  	_ = 	snop  }
0xd1: {  	[tilespmem:s21], [sflag:$0x1] =	stream.indirect_vreg.gather [hbm4b:s7+s4], $0x80, v4, vm0, $0xb8;
	[tilespmem:$0x14540] =	vst v63  }
0xd2: {  	_ = 	snop  }
0xd3: {  	[tilespmem:s22], [sflag:$0x1] =	stream.indirect_vreg.gather [hbm4b:s1+s4], $0x80, v3, vm0, $0xb8;
	[tilespmem:$0x14540] =	vst v63  }
0xd4: {  	_ = 	snop  }
0xd5: {  	[tilespmem:s23], [sflag:$0x1] =	stream.indirect_vreg.gather [hbm4b:s5+s4], $0x80, v3, vm0, $0xb8;
	[tilespmem:$0x14540] =	vst v63  }
0xd6: {  	_ = 	snop  }
0xd7: {  	[tilespmem:s24], [sflag:$0x1] =	stream.indirect_vreg.gather [hbm4b:s6+s4], $0x80, v3, vm0, $0xb8;
	[tilespmem:$0x14540] =	vst v63  }
0xd8: {  	_ = 	snop  }
0xd9: {  	[tilespmem:s25], [sflag:$0x1] =	stream.indirect_vreg.gather [hbm4b:s7+s4], $0x80, v3, vm0, $0xb8;
	[tilespmem:$0x14540] =	vst v63  }
0xda: {  	v3 =	vld [tilespmem:$0x3A0];
	_ =	sdelay $0x4  }
0xdb: {  	v61 =	vshll.u32 v3, $0x3  }
0xdc: {  	v3 =	vand.u32 $0x7, v3;
	v4 =	vand.u32 $0xFFFFFFC0, v61  }
0xdd: {  	v3 =	vor.u32 v3, v4  }
0xde: {  	v4 =	vperm.xlane v3, v0;
	_ =	sdelay $0x1  }
0xdf: {  	v4 =	vadd.s32 v1, v4;
	_ =	sdelay $0x4  }
0xe0: {  	[tilespmem:s26], [sflag:$0x1] =	stream.indirect_vreg.gather [hbm4b:s1+s4], $0x80, v4, vm0, $0xb8;
	[tilespmem:$0x14540] =	vst v63  }
0xe1: {  	v3 =	vperm.xlane v3, v2  }
0xe2: {  	[tilespmem:s28], [sflag:$0x1] =	stream.indirect_vreg.gather [hbm4b:s5+s4], $0x80, v4, vm0, $0xb8;
	[tilespmem:$0x14540] =	vst v63  }
0xe3: {  	v3 =	vadd.s32 v1, v3  }
0xe4: {  	[tilespmem:s29], [sflag:$0x1] =	stream.indirect_vreg.gather [hbm4b:s6+s4], $0x80, v4, vm0, $0xb8;
	[tilespmem:$0x14540] =	vst v63  }
0xe5: {  	_ = 	snop  }
0xe6: {  	[tilespmem:s30], [sflag:$0x1] =	stream.indirect_vreg.gather [hbm4b:s7+s4], $0x80, v4, vm0, $0xb8;
	[tilespmem:$0x14540] =	vst v63  }
0xe7: {  	_ = 	snop  }
0xe8: {  	[tilespmem:s31], [sflag:$0x1] =	stream.indirect_vreg.gather [hbm4b:s1+s4], $0x80, v3, vm0, $0xb8;
	[tilespmem:$0x14540] =	vst v63  }
0xe9: {  	_ = 	snop  }
0xea: {  	[tilespmem:s14], [sflag:$0x1] =	stream.indirect_vreg.gather [hbm4b:s5+s4], $0x80, v3, vm0, $0xb8;
	[tilespmem:$0x14540] =	vst v63  }
0xeb: {  	s11 =	simm.s32 $0xB400  }
0xec: {  	[tilespmem:s11], [sflag:$0x1] =	stream.indirect_vreg.gather [hbm4b:s6+s4], $0x80, v3, vm0, $0xb8;
	[tilespmem:$0x14540] =	vst v63  }
0xed: {  	s9 =	simm.s32 $0xBC00  }
0xee: {  	[tilespmem:s9], [sflag:$0x1] =	stream.indirect_vreg.gather [hbm4b:s7+s4], $0x80, v3, vm0, $0xb8;
	[tilespmem:$0x14540] =	vst v63  }
0xef: {  	v3 =	vld [tilespmem:$0x3B0];
	_ =	sdelay $0x4  }
0xf0: {  	v62 =	vshll.u32 v3, $0x3  }
0xf1: {  	v3 =	vand.u32 $0x7, v3;
	v4 =	vand.u32 $0xFFFFFFC0, v62  }
0xf2: {  	v3 =	vor.u32 v3, v4  }
0xf3: {  	v4 =	vperm.xlane v3, v0;
	_ =	sdelay $0x1  }
0xf4: {  	v4 =	vadd.s32 v1, v4;
	_ =	sdelay $0x3  }
0xf5: {  	s11 =	simm.s32 $0xC400  }
0xf6: {  	[tilespmem:s11], [sflag:$0x1] =	stream.indirect_vreg.gather [hbm4b:s1+s4], $0x80, v4, vm0, $0xb8;
	[tilespmem:$0x14540] =	vst v63  }
0xf7: {  	s9 =	simm.s32 $0xCC00;
	v3 =	vperm.xlane v3, v2  }
0xf8: {  	[tilespmem:s9], [sflag:$0x1] =	stream.indirect_vreg.gather [hbm4b:s5+s4], $0x80, v4, vm0, $0xb8;
	[tilespmem:$0x14540] =	vst v63  }
0xf9: {  	v3 =	vadd.s32 v1, v3;
	s11 =	simm.s32 $0xD400  }
0xfa: {  	[tilespmem:s11], [sflag:$0x1] =	stream.indirect_vreg.gather [hbm4b:s6+s4], $0x80, v4, vm0, $0xb8;
	[tilespmem:$0x14540] =	vst v63  }
0xfb: {  	s9 =	simm.s32 $0xDC00  }
0xfc: {  	[tilespmem:s9], [sflag:$0x1] =	stream.indirect_vreg.gather [hbm4b:s7+s4], $0x80, v4, vm0, $0xb8;
	[tilespmem:$0x14540] =	vst v63  }
0xfd: {  	s11 =	simm.s32 $0xE400  }
0xfe: {  	[tilespmem:s11], [sflag:$0x1] =	stream.indirect_vreg.gather [hbm4b:s1+s4], $0x80, v3, vm0, $0xb8;
	[tilespmem:$0x14540] =	vst v63  }
0xff: {  	s9 =	simm.s32 $0xEC00  }
0x100: {  	[tilespmem:s9], [sflag:$0x1] =	stream.indirect_vreg.gather [hbm4b:s5+s4], $0x80, v3, vm0, $0xb8;
	[tilespmem:$0x14540] =	vst v63  }
0x101: {  	s11 =	simm.s32 $0xF400  }
0x102: {  	[tilespmem:s11], [sflag:$0x1] =	stream.indirect_vreg.gather [hbm4b:s6+s4], $0x80, v3, vm0, $0xb8;
	[tilespmem:$0x14540] =	vst v63  }
0x103: {  	s9 =	simm.s32 $0xFC00  }
0x104: {  	[tilespmem:s9], [sflag:$0x1] =	stream.indirect_vreg.gather [hbm4b:s7+s4], $0x80, v3, vm0, $0xb8;
	[tilespmem:$0x14540] =	vst v63  }
0x105: {  	v3 =	vld [tilespmem:$0x3C0];
	_ =	sdelay $0x4  }
0x106: {  	v63 =	vshll.u32 v3, $0x3  }
0x107: {  	v3 =	vand.u32 $0x7, v3;
	v4 =	vand.u32 $0xFFFFFFC0, v63  }
0x108: {  	v3 =	vor.u32 v3, v4  }
0x109: {  	v4 =	vperm.xlane v3, v0;
	_ =	sdelay $0x1  }
0x10a: {  	v4 =	vadd.s32 v1, v4;
	_ =	sdelay $0x3  }
0x10b: {  	s11 =	simm.s32 $0x10400  }
0x10c: {  	[tilespmem:s11], [sflag:$0x1] =	stream.indirect_vreg.gather [hbm4b:s1+s4], $0x80, v4, vm0, $0xb8;
	[tilespmem:$0x14540] =	vst v63  }
0x10d: {  	s9 =	simm.s32 $0x10C00;
	v3 =	vperm.xlane v3, v2  }
0x10e: {  	[tilespmem:s9], [sflag:$0x1] =	stream.indirect_vreg.gather [hbm4b:s5+s4], $0x80, v4, vm0, $0xb8;
	[tilespmem:$0x14540] =	vst v63  }
0x10f: {  	v3 =	vadd.s32 v1, v3;
	s11 =	simm.s32 $0x11400  }
0x110: {  	[tilespmem:s11], [sflag:$0x1] =	stream.indirect_vreg.gather [hbm4b:s6+s4], $0x80, v4, vm0, $0xb8;
	[tilespmem:$0x14540] =	vst v63  }
0x111: {  	s9 =	simm.s32 $0x11C00  }
0x112: {  	[tilespmem:s9], [sflag:$0x1] =	stream.indirect_vreg.gather [hbm4b:s7+s4], $0x80, v4, vm0, $0xb8;
	[tilespmem:$0x14540] =	vst v63  }
0x113: {  	s11 =	simm.s32 $0x12400  }
0x114: {  	[tilespmem:s11], [sflag:$0x1] =	stream.indirect_vreg.gather [hbm4b:s1+s4], $0x80, v3, vm0, $0xb8;
	[tilespmem:$0x14540] =	vst v63  }
0x115: {  	s9 =	simm.s32 $0x12C00  }
0x116: {  	[tilespmem:s9], [sflag:$0x1] =	stream.indirect_vreg.gather [hbm4b:s5+s4], $0x80, v3, vm0, $0xb8;
	[tilespmem:$0x14540] =	vst v63  }
0x117: {  	s11 =	simm.s32 $0x13400  }
0x118: {  	[tilespmem:s11], [sflag:$0x1] =	stream.indirect_vreg.gather [hbm4b:s6+s4], $0x80, v3, vm0, $0xb8;
	[tilespmem:$0x14540] =	vst v63  }
0x119: {  	s9 =	simm.s32 $0x13C00  }
0x11a: {  	[tilespmem:s9], [sflag:$0x1] =	stream.indirect_vreg.gather [hbm4b:s7+s4], $0x80, v3, vm0, $0xb8;
	[tilespmem:$0x14540] =	vst v63  }
0x11b: {  	_ =	swait.ge [sflag:s0], $0x14000  }
0x11c: {  	p0 =	sne.s32 s8, $0x1;
	[sflag:s0] =	ssyncset.done $0x0  }
.Ltmp0:
0x11d: {  	s11 =	rddreg [dreg:$0xc];
	[sflag:s0] =	ssyncadd.s32 $0xFFFEC000;
	(pc) =	sbr.rel @p0 .LBB2_1-.Ltmp0, $4  }
0x11e: {  	[hbm4b:s11+s4] =	stream.linear.scatter [tilespmem:s3], [sflag:$0x2], $0x14000, $0x38;
	[tilespmem:$0x14540] =	vst v63  }
0x11f: {  	_ =	swait.ge [sflag:s10], $0x14000  }
0x120: {  	[sflag:s10] =	ssyncset.done $0x0  }
0x121: {  	s8 =	sadd.s32 $0xFFFFFFFF, s8;
	[sflag:s10] =	ssyncadd.s32 $0xFFFEC000  }
0x122: {  	_ =	sfence.sel $0x180000  }
0x123: {  	[bflag:$0x0] =	sbarrier.arrive $0xFFFF  }
0x124: {  	_ =	strace $0x90000047  }
0x125: {  	s0 =	stileid.u32;
	[bflag:$0x2] =	sbarrier.arrive $0xFFFF  }
0x126: {  	p0 =	sne.s32 s0, $0x0;
	s0 =	rddreg [dreg:$0x4]  }
0x127: {  	s0 =	sadd.s32 @!p0 $0x100000, s0  }
0x128: {  	[sflag:s0] =	ssyncadd.tile.s32 @!p0 $0x1;
	_ =	shalt  }
.Lfunc_end2:
_tile_overlayer_lowered:
.L_overlay_start_2:
0x129: {  	(tag) =	ssettag $0x2  }
0x12a: {  	s0 =	rddreg [dreg:$0x0];
	s2 =	stileid.u32  }
0x12b: {  	s1 =	rddreg [dreg:$0x1];
	p0 =	sne.s32 s2, $0x0  }
0x12c: {  	s3 =	rddreg [dreg:$0x2];
	[bflag:$0x3] =	sbarrier.arrive $0xFFFF;
	s2 =	simm.s32 @!p0 $0x1C02  }
0x12d: {  	[timem:s3], [sflag:s2] =	dma.local @!p0 [hbm:s0], s1  }
0x12e: {  	s0 =	simm.s32 @!p0 $0x2  }
0x12f: {  	_ =	swait.ge @!p0 [sflag:s0], s1  }
0x130: {  	s1 =	ssub.s32 @!p0 $0x0, s1;
	[sflag:s0] =	ssyncset.done @!p0 $0x0  }
0x131: {  	[sflag:s0] =	ssyncadd.s32 @!p0 s1  }
0x132: {  	[bflag:$0x3] =	sbarrier.arrive $0xFFFF  }
0x133: {  	_ =	shalt  }

// kernel: kernel.8.cloned.1.call-start
scs
__scs_entry_jumppad:
0x0: {  	(pc) =	sbr.rel $0x88, $3  }
0x1: {  	(tag) =	ssettag $0x0;
	lr =	simm.s32 $0x1  }
0x2: {  	[smem:$0x3F93] =	sst lr;
	_ =	strace $0xD0000000  }
0x3: {  	_ = 	snop  }
0x4: {  	_ = 	snop  }
0x5: {  	_ = 	snop  }
0x6: {  	_ = 	snop  }
0x7: {  	_ = 	snop  }
__scs_overlays_trampoline_lowered:
0x8: {  	[smem:$0x3FA2] =	sst s0  }
0x9: {  	[smem:$0x3FA3] =	sst s1  }
0xa: {  	[smem:$0x3FA4] =	sst s2  }
0xb: {  	[smem:$0x3FA5] =	sst s3  }
0xc: {  	[smem:$0x3FA6] =	sst s4  }
0xd: {  	[smem:$0x3FA7] =	sst s5  }
0xe: {  	[smem:$0x3FA8] =	sst s6  }
0xf: {  	[smem:$0x3FA9] =	sst s7  }
0x10: {  	[smem:$0x3FAA] =	sst s8  }
0x11: {  	[smem:$0x3FAB] =	sst s9;
	s0 =	simm.s32 @!p0 $0x0  }
0x12: {  	s1 =	sld [smem:$0x3F91];
	s0 =	simm.s32 @p0 $0x1  }
0x13: {  	[smem:$0x3FAC] =	sst s0;
	s0 =	simm.s32 @!p1 $0x0  }
0x14: {  	s2 =	sld [smem:$0x3F90];
	s0 =	simm.s32 @p1 $0x1  }
0x15: {  	[smem:$0x3FAD] =	sst s0;
	s0 =	simm.s32 @!p2 $0x0  }
0x16: {  	s3 =	sld [smem:$0x3FDB];
	s0 =	simm.s32 @p2 $0x1  }
0x17: {  	s4 =	simm.s32 $0x1BF5;
	[smem:$0x3FAF] =	sst s0  }
0x18: {  	s0 =	sld [smem:$0x3F92];
	_ =	swait.ge [sflag:s4], $0x0  }
0x19: {  	s7 =	sld [smem:$0x3F93]  }
0x1a: {  	s8 =	sadd.s32 $0xFFFFE003, lr  }
0x1b: {  	s9 =	sadd.s32 $0xFFFFFEF7, lr;
	s5 =	simm.s32 $0xFFFFFFFF;
	p2 =	slt.u32 s8, $0xFFFFF086  }
0x1c: {  	p1 =	slt.u32 s9, $0xF7A;
	s5 =	simm.s32 @!p2 $0x0  }
0x1d: {  	s5 =	simm.s32 @p1 $0x1;
	p0 =	seq.s32 s7, s2  }
0x1e: {  	s7 =	smul.u32 @!p0 $0xF7A, s2;
	p2 =	seq.s32 @!p0 s5, $0x0  }
0x1f: {  	s9 =	smul.u32 $0xF7A, s1;
	s8 =	simm.s32 @!p0 $0x1BF5;
	p2 =	por !p2, p0  }
0x20: {  	[sflag:s8] =	ssyncset.s32 @!p0 $0xFFFFF086;
	s6 =	sadd.s32 @!p0 s3, s7;
	s7 =	simm.s32 @!p0 $0x108  }
0x21: {  	s3 =	sadd.s32 s3, s9;
	s6 =	sadd.s32 @!p0 $0x88, s6;
	s7 =	simm.s32 @p2 $0x1082  }
0x22: {  	[simem:s7], [sflag:s8] =	dma.local @!p0 [hbm:s6], $0xF7A  }
0x23: {  	s9 =	sor.u32 $0xD0000000, s2;
	s6 =	simm.s32 $0x108;
	_ =	swait.ge @!p0 [sflag:s8], $0x0  }
0x24: {  	s3 =	sadd.s32 $0x88, s3;
	s6 =	simm.s32 @!p1 $0x1082;
	[sflag:s4] =	ssyncset.s32 $0xFFFFF086  }
0x25: {  	[simem:s6], [sflag:s4] =	dma.local [hbm:s3], $0xF7A  }
0x26: {  	[smem:$0x3F93] =	sst s1;
	(tag) =	ssettag s2;
	_ =	strace s9  }
0x27: {  	s1 =	sld [smem:$0x3FA3]  }
0x28: {  	s2 =	sld [smem:$0x3FA4]  }
0x29: {  	s4 =	sld [smem:$0x3FA6]  }
0x2a: {  	p0 =	seq.s32 s5, $0x0;
	s5 =	sld [smem:$0x3FA7]  }
0x2b: {  	s6 =	sld [smem:$0x3FA8]  }
0x2c: {  	s7 =	sld [smem:$0x3FA9]  }
0x2d: {  	s3 =	simm.s32 $0x108;
	s8 =	sld [smem:$0x3FAA]  }
0x2e: {  	s3 =	simm.s32 @!p0 $0x1082;
	s9 =	sld [smem:$0x3FAB]  }
0x2f: {  	lr =	sadd.s32 s0, s3;
	s0 =	sld [smem:$0x3FA2]  }
0x30: {  	s3 =	sld [smem:$0x3FA5]  }
0x31: {  	[smem:$0x3FAE] =	sst s10  }
0x32: {  	s10 =	sld [smem:$0x3FAC];
	_ =	sdelay $0x3  }
0x33: {  	p0 =	seq.s32 s10, $0x1;
	s10 =	sld [smem:$0x3FAE];
	_ =	sdelay $0x3  }
0x34: {  	[smem:$0x3FAE] =	sst s10  }
0x35: {  	s10 =	sld [smem:$0x3FAD];
	_ =	sdelay $0x3  }
0x36: {  	p1 =	seq.s32 s10, $0x1;
	s10 =	sld [smem:$0x3FAE];
	_ =	sdelay $0x3  }
0x37: {  	[smem:$0x3FAE] =	sst s10  }
0x38: {  	s10 =	sld [smem:$0x3FAF]  }
0x39: {  	_ = 	snop;
	(pc) =	sbr.ind lr, $3  }
0x3a: {  	_ = 	snop  }
0x3b: {  	_ = 	snop  }
0x3c: {  	p2 =	seq.s32 s10, $0x1;
	s10 =	sld [smem:$0x3FAE]  }
0x3d: {  	_ =	shalt  }
0x3e: {  	_ =	shalt  }
0x3f: {  	_ =	shalt  }
0x40: {  	_ =	shalt  }
0x41: {  	_ =	shalt  }
0x42: {  	_ =	shalt  }
0x43: {  	_ =	shalt  }
0x44: {  	_ =	shalt  }
0x45: {  	_ =	shalt  }
0x46: {  	_ =	shalt  }
0x47: {  	_ =	shalt  }
0x48: {  	_ =	shalt  }
0x49: {  	_ =	shalt  }
0x4a: {  	_ =	shalt  }
0x4b: {  	_ =	shalt  }
0x4c: {  	_ =	shalt  }
0x4d: {  	_ =	shalt  }
0x4e: {  	_ =	shalt  }
0x4f: {  	_ =	shalt  }
0x50: {  	_ =	shalt  }
0x51: {  	_ =	shalt  }
0x52: {  	_ =	shalt  }
0x53: {  	_ =	shalt  }
0x54: {  	_ =	shalt  }
0x55: {  	_ =	shalt  }
0x56: {  	_ =	shalt  }
0x57: {  	_ =	shalt  }
0x58: {  	_ =	shalt  }
0x59: {  	_ =	shalt  }
0x5a: {  	_ =	shalt  }
0x5b: {  	_ =	shalt  }
0x5c: {  	_ =	shalt  }
0x5d: {  	_ =	shalt  }
0x5e: {  	_ =	shalt  }
0x5f: {  	_ =	shalt  }
0x60: {  	_ =	shalt  }
0x61: {  	_ =	shalt  }
0x62: {  	_ =	shalt  }
0x63: {  	_ =	shalt  }
0x64: {  	_ =	shalt  }
0x65: {  	_ =	shalt  }
0x66: {  	_ =	shalt  }
0x67: {  	_ =	shalt  }
0x68: {  	_ =	shalt  }
0x69: {  	_ =	shalt  }
0x6a: {  	_ =	shalt  }
0x6b: {  	_ =	shalt  }
0x6c: {  	_ =	shalt  }
0x6d: {  	_ =	shalt  }
0x6e: {  	_ =	shalt  }
0x6f: {  	_ =	shalt  }
0x70: {  	_ =	shalt  }
0x71: {  	_ =	shalt  }
0x72: {  	_ =	shalt  }
0x73: {  	_ =	shalt  }
0x74: {  	_ =	shalt  }
0x75: {  	_ =	shalt  }
0x76: {  	_ =	shalt  }
0x77: {  	_ =	shalt  }
0x78: {  	_ =	shalt  }
0x79: {  	_ =	shalt  }
0x7a: {  	_ =	shalt  }
0x7b: {  	_ =	shalt  }
0x7c: {  	_ =	shalt  }
0x7d: {  	_ =	shalt  }
0x7e: {  	_ =	shalt  }
0x7f: {  	_ =	shalt  }
0x80: {  	_ =	shalt  }
0x81: {  	_ =	shalt  }
0x82: {  	_ =	shalt  }
0x83: {  	_ =	shalt  }
0x84: {  	_ =	shalt  }
0x85: {  	_ =	shalt  }
0x86: {  	_ =	shalt  }
0x87: {  	_ =	shalt  }
.Lfunc_end0:
.L_simem_size_0:
called_computation.1_lowered:
.L_overlay_start_0:
0x88: {  	s2 =	sld [smem:$0x3FD9]  }
0x89: {  	s3 =	sld [smem:$0x3FFE];
	_ =	sdelay $0x1  }
0x8a: {  	s1 =	srdreg.scid  }
0x8b: {  	s0 =	sand.u32 $0x1, s1  }
0x8c: {  	s16 =	sshll.u32 s0, $0xA;
	s2 =	sadd.s32 s3, s2  }
0x8d: {  	s2 =	sadd.s32 s2, s16  }
0x8e: {  	[smem:$0x3FBA] =	sst s2  }
0x8f: {  	_ = 	snop  }
0x90: {  	(tm) =	ssettm $0x1  }
0x91: {  	s17 =	sld [smem:$0x3FFB];
	_ =	sdelay $0x3  }
0x92: {  	_ =	strace s17  }
0x93: {  	s2 =	sld [smem:$0x3FFC];
	_ =	sdelay $0x3  }
0x94: {  	_ =	strace s2  }
0x95: {  	s2 =	sld [smem:$0x3FFD];
	_ =	sdelay $0x3  }
0x96: {  	_ =	strace s2  }
0x97: {  	_ =	strace $0x8FFFFFFF  }
0x98: {  	s18 =	sld [smem:$0x3FDB];
	_ =	sdelay $0x1  }
0x99: {  	s19 =	simm.s32 $_scs_section_size  }
0x9a: {  	s4 =	simm.s32 $_size__tile_overlayer_lowered;
	s5 =	simm.s32 $_tile_overlayer_lowered  }
0x9b: {  	s22 =	simm.s32 $0x1BFF;
	s21 =	sshll.u32 s5, $0x1;
	s2 =	sadd.s32 s19, s18  }
0x9c: {  	s6 =	simm.s32 $0x0;
	s20 =	sshll.u32 s4, $0x1;
	s4 =	sadd.s32 s21, s2  }
0x9d: {  	[timem:s6], [sflag:s22] =	dma.local [hbm:s4], s20  }
0x9e: {  	_ =	swait.ge [sflag:s22], s20  }
0x9f: {  	s3 =	ssub.s32 $0x0, s20;
	[sflag:s22] =	ssyncset.done $0x0  }
0xa0: {  	[sflag:s22] =	ssyncadd.s32 s3;
	_ =	sdelay $0x1  }
0xa1: {  	s23 =	simm.s32 $0x1B8B  }
0xa2: {  	_ =	swait.ge [sflag:s23], $0x1  }
0xa3: {  	[sflag:s23] =	ssyncset.done $0x0  }
0xa4: {  	s25 =	simm.s32 $0x1B8E;
	s24 =	sld [smem:$0x3FFE];
	[sflag:s23] =	ssyncadd.s32 $0xFFFFFFFF  }
0xa5: {  	s26 =	simm.s32 $execute0_lowered;
	[smem:$0x3FD2] =	sst s25  }
0xa6: {  	s4 =	sshll.u32 s26, $0x1;
	_ =	strace $0x80000049;
	[dreg:$0x1] =	wrdreg $0xFFFFFFFF  }
0xa7: {  	s28 =	simm.s32 $_size_execute0_lowered;
	s2 =	sadd.s32 s2, s4;
	[dreg:$0x0] =	wrdreg $0x0  }
0xa8: {  	s4 =	sshll.u32 s28, $0x1;
	[dreg:$0x2] =	wrdreg s2  }
0xa9: {  	[dreg:$0x3] =	wrdreg s4  }
0xaa: {  	[dreg:$0x4] =	wrdreg $0xC0  }
0xab: {  	_ =	task [dreg:s6], $0x5FFFF  }
0xac: {  	[dreg:$0x1] =	wrdreg $0xFFFFFFFF  }
0xad: {  	[dreg:$0x0] =	wrdreg $0x60  }
0xae: {  	[dreg:$0x2] =	wrdreg s24  }
0xaf: {  	[dreg:$0x3] =	wrdreg $0x9  }
0xb0: {  	_ =	task.clear_ibuf [dreg:s6], $0x4FFFF;
	_ =	strace $0x90000049  }
0xb1: {  	s29 =	simm.s32 $0x9;
	_ =	strace $0x8000004B  }
0xb2: {  	_ =	swait.ge [sflag:s29], $0x1  }
0xb3: {  	[sflag:s29] =	ssyncadd.s32 $0xFFFFFFFF  }
0xb4: {  	_ =	strace $0x9000004B  }
0xb5: {  	_ =	sfence  }
0xb6: {  	s30 =	sld [smem:$0x0];
	_ =	sdelay $0x2  }
0xb7: {  	s31 =	sshll.u32 s1, $0xD;
	s1 =	sshrl.u32 s1, $0x2  }
0xb8: {  	s3 =	sand.u32 $0x4000, s31;
	s1 =	sadd.s32 s1, s30  }
0xb9: {  	s0 =	sor.u32 s3, s0;
	s1 =	sshll.u32 s1, $0x11  }
0xba: {  	s0 =	sor.u32 s1, s0  }
0xbb: {  	s0 =	sadd.s32 $0x8F2B, s0  }
0xbc: {  	[sflag:s0] =	ssyncadd.remote.s32 $0x1  }
0xbd: {  	_ =	sfence.sel $0xFFFF  }
0xbe: {  	[dreg:$0x0] =	wrdreg $0xFFFFFFFF;
	(pc) =	sbr.abs _section_cstart, $3  }
0xbf: {  	[dreg:$0x1] =	wrdreg $0xFFFFFFFF  }
0xc0: {  	_ =	task.clear_ibuf [dreg:s6], $0x2FFFF;
	_ =	strace $0x9FFFFFFF  }
0xc1: {  	(tm) =	ssettm $0x7FFFFFFF  }
tec
execute0_lowered:
.L_overlay_start_1:
0x0: {  	(tag) =	ssettag $0x1  }
0x1: {  	s0 =	rddreg [dreg:$0x0];
	s2 =	simm.s32 $0x0  }
0x2: {  	s11 =	simm.s32 $0xC080;
	[smem:$0x7FF] =	sst s2  }
0x3: {  	s12 =	simm.s32 $0xC880;
	_ =	strace $0x8000004A;
	[dreg:$0x6] =	wrdreg s11  }
0x4: {  	s13 =	simm.s32 $0xD080;
	[dreg:$0x7] =	wrdreg s12  }
0x5: {  	s1 =	srdreg.scid;
	s14 =	simm.s32 $0xD880;
	[dreg:$0x8] =	wrdreg s13  }
0x6: {  	s3 =	stileid.u32;
	s15 =	simm.s32 $0xE080;
	[dreg:$0x9] =	wrdreg s14  }
0x7: {  	s16 =	simm.s32 $0xE880;
	s17 =	simm.s32 $0xF080;
	[dreg:$0xa] =	wrdreg s15  }
0x8: {  	s18 =	simm.s32 $0xF880;
	s19 =	simm.s32 $0x10080;
	[dreg:$0xb] =	wrdreg s16  }
0x9: {  	s20 =	simm.s32 $0x10880;
	s21 =	simm.s32 $0x11080;
	[dreg:$0xc] =	wrdreg s17  }
0xa: {  	s22 =	simm.s32 $0x11880;
	s23 =	simm.s32 $0x12080;
	[dreg:$0xd] =	wrdreg s18  }
0xb: {  	s24 =	simm.s32 $0x12880;
	s28 =	simm.s32 $0x7880;
	[dreg:$0xe] =	wrdreg s19  }
0xc: {  	s29 =	simm.s32 $0x8080;
	s30 =	simm.s32 $0x8880;
	[dreg:$0xf] =	wrdreg s20  }
0xd: {  	s31 =	simm.s32 $0x9080;
	s1 =	sand.u32 $0x1, s1;
	[dreg:$0x10] =	wrdreg s21  }
0xe: {  	s3 =	sshll.u32 s3, $0x8;
	s6 =	sadd.s32 $0x400, s0;
	[dreg:$0x11] =	wrdreg s22  }
0xf: {  	s8 =	sadd.s32 $0x600, s0;
	s4 =	sshll.u32 s1, $0x7;
	[dreg:$0x12] =	wrdreg s23  }
0x10: {  	s1 =	ssub.s32 $0x2, s1;
	[dreg:$0x13] =	wrdreg s24;
	s13 =	simm.s32 $0x880  }
0x11: {  	s14 =	simm.s32 $0x1080;
	s15 =	simm.s32 $0x1880;
	s16 =	simm.s32 $0x2080  }
0x12: {  	s17 =	simm.s32 $0x2880;
	s18 =	simm.s32 $0x3080;
	s19 =	simm.s32 $0x3880  }
0x13: {  	s20 =	simm.s32 $0x4080;
	s21 =	simm.s32 $0x4880;
	s22 =	simm.s32 $0x5080  }
0x14: {  	s23 =	simm.s32 $0x5880;
	s24 =	simm.s32 $0x6080;
	s5 =	sor.u32 s4, s3  }
0x15: {  	s3 =	sadd.s32 $0xA0600, s0;
	s7 =	sshrl.u32 s1, $0x1;
	s4 =	sshrl.u32 s5, $0x3  }
0x16: {  	s1 =	ssub.s32 s1, s7;
	s25 =	sshll.u32 s5, $0x7;
	s9 =	sor.u32 $0x50, s5  }
0x17: {  	s5 =	sadd.s32 $0xA0800, s0;
	s4 =	sadd.s32 s6, s4;
	s7 =	sadd.s32 s8, s25  }
0x18: {  	s10 =	sshrl.u32 s9, $0x3;
	s9 =	sshll.u32 s9, $0x7;
	[dreg:$0x2] =	wrdreg s4  }
0x19: {  	s25 =	simm.s32 $0x13080;
	s4 =	sadd.s32 $0xA0700, s0;
	[dreg:$0x3] =	wrdreg s7  }
0x1a: {  	s26 =	sadd.s32 s6, s10;
	s6 =	sadd.s32 $0xA0900, s0;
	s10 =	sadd.s32 s8, s9  }
0x1b: {  	s7 =	smax.u32 s1, $0x1;
	s8 =	simm.s32 $0x2;
	[dreg:$0x14] =	wrdreg s25  }
0x1c: {  	v2 =	vlaneseq.u32;
	s0 =	simm.s32 $0x80;
	s25 =	simm.s32 $0x6880;
	[dreg:$0x4] =	wrdreg s26  }
0x1d: {  	vm0 =	vmmov $0xffff;
	v1 =	vshrl.u32 v2, $0x3;
	s9 =	simm.s32 $0xA880;
	[dreg:$0x5] =	wrdreg s10;
	s26 =	simm.s32 $0x13880  }
0x1e: {  	v0 =	vand.u32 $0x7, v2;
	v2 =	vor.u32 $0x8, v2;
	v1 =	vmul.u32 $0x8, v1;
	s10 =	simm.s32 $0x1;
	[dreg:$0x15] =	wrdreg s26;
	s26 =	simm.s32 $0x7080  }
.LBB2_1:
0x1f: {  	s11 =	rddreg [dreg:$0x2]  }
0x20: {  	[tilespmem:s2], [sflag:$0x2] =	stream.linear.gather [hbm4b:s11+s2], $0x50, $0x38;
	[tilespmem:$0x14080] =	vst v63  }
0x21: {  	_ =	swait.ge [sflag:s8], $0x50  }
0x22: {  	[sflag:s8] =	ssyncset.done $0x0  }
0x23: {  	[sflag:s8] =	ssyncadd.s32 $0xFFFFFFB0  }
0x24: {  	v3 =	vld [tilespmem:$0x0];
	_ =	sdelay $0x4  }
0x25: {  	v4 =	vshll.u32 v3, $0x3  }
0x26: {  	v3 =	vand.u32 $0x7, v3;
	v4 =	vand.u32 $0xFFFFFFC0, v4  }
0x27: {  	v3 =	vor.u32 v3, v4  }
0x28: {  	v4 =	vperm.xlane v3, v0;
	_ =	sdelay $0x1  }
0x29: {  	v4 =	vadd.s32 v1, v4;
	_ =	sdelay $0x4  }
0x2a: {  	[tilespmem:s0], [sflag:$0x1] =	stream.indirect_vreg.gather [hbm4b:s3+s2], $0x80, v4, vm0, $0xb8;
	[tilespmem:$0x14080] =	vst v63  }
0x2b: {  	v3 =	vperm.xlane v3, v2  }
0x2c: {  	[tilespmem:s13], [sflag:$0x1] =	stream.indirect_vreg.gather [hbm4b:s4+s2], $0x80, v4, vm0, $0xb8;
	[tilespmem:$0x14080] =	vst v63  }
0x2d: {  	v3 =	vadd.s32 v1, v3  }
0x2e: {  	[tilespmem:s14], [sflag:$0x1] =	stream.indirect_vreg.gather [hbm4b:s5+s2], $0x80, v4, vm0, $0xb8;
	[tilespmem:$0x14080] =	vst v63  }
0x2f: {  	_ = 	snop  }
0x30: {  	[tilespmem:s15], [sflag:$0x1] =	stream.indirect_vreg.gather [hbm4b:s6+s2], $0x80, v4, vm0, $0xb8;
	[tilespmem:$0x14080] =	vst v63  }
0x31: {  	_ = 	snop  }
0x32: {  	[tilespmem:s16], [sflag:$0x1] =	stream.indirect_vreg.gather [hbm4b:s3+s2], $0x80, v3, vm0, $0xb8;
	[tilespmem:$0x14080] =	vst v63  }
0x33: {  	_ = 	snop  }
0x34: {  	[tilespmem:s17], [sflag:$0x1] =	stream.indirect_vreg.gather [hbm4b:s4+s2], $0x80, v3, vm0, $0xb8;
	[tilespmem:$0x14080] =	vst v63  }
0x35: {  	_ = 	snop  }
0x36: {  	[tilespmem:s18], [sflag:$0x1] =	stream.indirect_vreg.gather [hbm4b:s5+s2], $0x80, v3, vm0, $0xb8;
	[tilespmem:$0x14080] =	vst v63  }
0x37: {  	_ = 	snop  }
0x38: {  	[tilespmem:s19], [sflag:$0x1] =	stream.indirect_vreg.gather [hbm4b:s6+s2], $0x80, v3, vm0, $0xb8;
	[tilespmem:$0x14080] =	vst v63  }
0x39: {  	v3 =	vld [tilespmem:$0x10];
	_ =	sdelay $0x4  }
0x3a: {  	v57 =	vshll.u32 v3, $0x3  }
0x3b: {  	v3 =	vand.u32 $0x7, v3;
	v4 =	vand.u32 $0xFFFFFFC0, v57  }
0x3c: {  	v3 =	vor.u32 v3, v4  }
0x3d: {  	v4 =	vperm.xlane v3, v0;
	_ =	sdelay $0x1  }
0x3e: {  	v4 =	vadd.s32 v1, v4;
	_ =	sdelay $0x4  }
0x3f: {  	[tilespmem:s20], [sflag:$0x1] =	stream.indirect_vreg.gather [hbm4b:s3+s2], $0x80, v4, vm0, $0xb8;
	[tilespmem:$0x14080] =	vst v63  }
0x40: {  	v3 =	vperm.xlane v3, v2  }
0x41: {  	[tilespmem:s21], [sflag:$0x1] =	stream.indirect_vreg.gather [hbm4b:s4+s2], $0x80, v4, vm0, $0xb8;
	[tilespmem:$0x14080] =	vst v63  }
0x42: {  	v3 =	vadd.s32 v1, v3  }
0x43: {  	[tilespmem:s22], [sflag:$0x1] =	stream.indirect_vreg.gather [hbm4b:s5+s2], $0x80, v4, vm0, $0xb8;
	[tilespmem:$0x14080] =	vst v63  }
0x44: {  	_ = 	snop  }
0x45: {  	[tilespmem:s23], [sflag:$0x1] =	stream.indirect_vreg.gather [hbm4b:s6+s2], $0x80, v4, vm0, $0xb8;
	[tilespmem:$0x14080] =	vst v63  }
0x46: {  	_ = 	snop  }
0x47: {  	[tilespmem:s24], [sflag:$0x1] =	stream.indirect_vreg.gather [hbm4b:s3+s2], $0x80, v3, vm0, $0xb8;
	[tilespmem:$0x14080] =	vst v63  }
0x48: {  	_ = 	snop  }
0x49: {  	[tilespmem:s25], [sflag:$0x1] =	stream.indirect_vreg.gather [hbm4b:s4+s2], $0x80, v3, vm0, $0xb8;
	[tilespmem:$0x14080] =	vst v63  }
0x4a: {  	_ = 	snop  }
0x4b: {  	[tilespmem:s26], [sflag:$0x1] =	stream.indirect_vreg.gather [hbm4b:s5+s2], $0x80, v3, vm0, $0xb8;
	[tilespmem:$0x14080] =	vst v63  }
0x4c: {  	_ = 	snop  }
0x4d: {  	[tilespmem:s28], [sflag:$0x1] =	stream.indirect_vreg.gather [hbm4b:s6+s2], $0x80, v3, vm0, $0xb8;
	[tilespmem:$0x14080] =	vst v63  }
0x4e: {  	v3 =	vld [tilespmem:$0x20];
	_ =	sdelay $0x4  }
0x4f: {  	v58 =	vshll.u32 v3, $0x3  }
0x50: {  	v3 =	vand.u32 $0x7, v3;
	v4 =	vand.u32 $0xFFFFFFC0, v58  }
0x51: {  	v3 =	vor.u32 v3, v4  }
0x52: {  	v4 =	vperm.xlane v3, v0;
	_ =	sdelay $0x1  }
0x53: {  	v4 =	vadd.s32 v1, v4;
	_ =	sdelay $0x4  }
0x54: {  	[tilespmem:s29], [sflag:$0x1] =	stream.indirect_vreg.gather [hbm4b:s3+s2], $0x80, v4, vm0, $0xb8;
	[tilespmem:$0x14080] =	vst v63  }
0x55: {  	v3 =	vperm.xlane v3, v2  }
0x56: {  	[tilespmem:s30], [sflag:$0x1] =	stream.indirect_vreg.gather [hbm4b:s4+s2], $0x80, v4, vm0, $0xb8;
	[tilespmem:$0x14080] =	vst v63  }
0x57: {  	v3 =	vadd.s32 v1, v3  }
0x58: {  	[tilespmem:s31], [sflag:$0x1] =	stream.indirect_vreg.gather [hbm4b:s5+s2], $0x80, v4, vm0, $0xb8;
	[tilespmem:$0x14080] =	vst v63  }
0x59: {  	s1 =	simm.s32 $0x9880  }
0x5a: {  	[tilespmem:s1], [sflag:$0x1] =	stream.indirect_vreg.gather [hbm4b:s6+s2], $0x80, v4, vm0, $0xb8;
	[tilespmem:$0x14080] =	vst v63  }
0x5b: {  	s1 =	simm.s32 $0xA080  }
0x5c: {  	[tilespmem:s1], [sflag:$0x1] =	stream.indirect_vreg.gather [hbm4b:s3+s2], $0x80, v3, vm0, $0xb8;
	[tilespmem:$0x14080] =	vst v63  }
0x5d: {  	_ = 	snop  }
0x5e: {  	[tilespmem:s9], [sflag:$0x1] =	stream.indirect_vreg.gather [hbm4b:s4+s2], $0x80, v3, vm0, $0xb8;
	[tilespmem:$0x14080] =	vst v63  }
0x5f: {  	s12 =	simm.s32 $0xB080  }
0x60: {  	[tilespmem:s12], [sflag:$0x1] =	stream.indirect_vreg.gather [hbm4b:s5+s2], $0x80, v3, vm0, $0xb8;
	[tilespmem:$0x14080] =	vst v63  }
0x61: {  	s12 =	simm.s32 $0xB880  }
0x62: {  	[tilespmem:s12], [sflag:$0x1] =	stream.indirect_vreg.gather [hbm4b:s6+s2], $0x80, v3, vm0, $0xb8;
	[tilespmem:$0x14080] =	vst v63  }
0x63: {  	v3 =	vld [tilespmem:$0x30];
	_ =	sdelay $0x4  }
0x64: {  	v59 =	vshll.u32 v3, $0x3  }
0x65: {  	v3 =	vand.u32 $0x7, v3;
	v4 =	vand.u32 $0xFFFFFFC0, v59  }
0x66: {  	v3 =	vor.u32 v3, v4  }
0x67: {  	v4 =	vperm.xlane v3, v0;
	_ =	sdelay $0x1  }
0x68: {  	v4 =	vadd.s32 v1, v4;
	_ =	sdelay $0x3  }
0x69: {  	s11 =	rddreg [dreg:$0x6]  }
0x6a: {  	[tilespmem:s11], [sflag:$0x1] =	stream.indirect_vreg.gather [hbm4b:s3+s2], $0x80, v4, vm0, $0xb8;
	[tilespmem:$0x14080] =	vst v63  }
0x6b: {  	s12 =	rddreg [dreg:$0x7];
	v3 =	vperm.xlane v3, v2  }
0x6c: {  	[tilespmem:s12], [sflag:$0x1] =	stream.indirect_vreg.gather [hbm4b:s4+s2], $0x80, v4, vm0, $0xb8;
	[tilespmem:$0x14080] =	vst v63  }
0x6d: {  	v3 =	vadd.s32 v1, v3;
	s11 =	rddreg [dreg:$0x8]  }
0x6e: {  	[tilespmem:s11], [sflag:$0x1] =	stream.indirect_vreg.gather [hbm4b:s5+s2], $0x80, v4, vm0, $0xb8;
	[tilespmem:$0x14080] =	vst v63  }
0x6f: {  	s12 =	rddreg [dreg:$0x9]  }
0x70: {  	[tilespmem:s12], [sflag:$0x1] =	stream.indirect_vreg.gather [hbm4b:s6+s2], $0x80, v4, vm0, $0xb8;
	[tilespmem:$0x14080] =	vst v63  }
0x71: {  	s11 =	rddreg [dreg:$0xa]  }
0x72: {  	[tilespmem:s11], [sflag:$0x1] =	stream.indirect_vreg.gather [hbm4b:s3+s2], $0x80, v3, vm0, $0xb8;
	[tilespmem:$0x14080] =	vst v63  }
0x73: {  	s12 =	rddreg [dreg:$0xb]  }
0x74: {  	[tilespmem:s12], [sflag:$0x1] =	stream.indirect_vreg.gather [hbm4b:s4+s2], $0x80, v3, vm0, $0xb8;
	[tilespmem:$0x14080] =	vst v63  }
0x75: {  	s11 =	rddreg [dreg:$0xc]  }
0x76: {  	[tilespmem:s11], [sflag:$0x1] =	stream.indirect_vreg.gather [hbm4b:s5+s2], $0x80, v3, vm0, $0xb8;
	[tilespmem:$0x14080] =	vst v63  }
0x77: {  	s12 =	rddreg [dreg:$0xd]  }
0x78: {  	[tilespmem:s12], [sflag:$0x1] =	stream.indirect_vreg.gather [hbm4b:s6+s2], $0x80, v3, vm0, $0xb8;
	[tilespmem:$0x14080] =	vst v63  }
0x79: {  	v3 =	vld [tilespmem:$0x40];
	_ =	sdelay $0x4  }
0x7a: {  	v60 =	vshll.u32 v3, $0x3  }
0x7b: {  	v3 =	vand.u32 $0x7, v3;
	v4 =	vand.u32 $0xFFFFFFC0, v60  }
0x7c: {  	v3 =	vor.u32 v3, v4  }
0x7d: {  	v4 =	vperm.xlane v3, v0;
	_ =	sdelay $0x1  }
0x7e: {  	v4 =	vadd.s32 v1, v4;
	_ =	sdelay $0x3  }
0x7f: {  	s11 =	rddreg [dreg:$0xe]  }
0x80: {  	[tilespmem:s11], [sflag:$0x1] =	stream.indirect_vreg.gather [hbm4b:s3+s2], $0x80, v4, vm0, $0xb8;
	[tilespmem:$0x14080] =	vst v63  }
0x81: {  	s12 =	rddreg [dreg:$0xf];
	v3 =	vperm.xlane v3, v2  }
0x82: {  	[tilespmem:s12], [sflag:$0x1] =	stream.indirect_vreg.gather [hbm4b:s4+s2], $0x80, v4, vm0, $0xb8;
	[tilespmem:$0x14080] =	vst v63  }
0x83: {  	v3 =	vadd.s32 v1, v3;
	s11 =	rddreg [dreg:$0x10]  }
0x84: {  	[tilespmem:s11], [sflag:$0x1] =	stream.indirect_vreg.gather [hbm4b:s5+s2], $0x80, v4, vm0, $0xb8;
	[tilespmem:$0x14080] =	vst v63  }
0x85: {  	s12 =	rddreg [dreg:$0x11]  }
0x86: {  	[tilespmem:s12], [sflag:$0x1] =	stream.indirect_vreg.gather [hbm4b:s6+s2], $0x80, v4, vm0, $0xb8;
	[tilespmem:$0x14080] =	vst v63  }
0x87: {  	s11 =	rddreg [dreg:$0x12]  }
0x88: {  	[tilespmem:s11], [sflag:$0x1] =	stream.indirect_vreg.gather [hbm4b:s3+s2], $0x80, v3, vm0, $0xb8;
	[tilespmem:$0x14080] =	vst v63  }
0x89: {  	s12 =	rddreg [dreg:$0x13]  }
0x8a: {  	[tilespmem:s12], [sflag:$0x1] =	stream.indirect_vreg.gather [hbm4b:s4+s2], $0x80, v3, vm0, $0xb8;
	[tilespmem:$0x14080] =	vst v63  }
0x8b: {  	s11 =	rddreg [dreg:$0x14]  }
0x8c: {  	[tilespmem:s11], [sflag:$0x1] =	stream.indirect_vreg.gather [hbm4b:s5+s2], $0x80, v3, vm0, $0xb8;
	[tilespmem:$0x14080] =	vst v63  }
0x8d: {  	s12 =	rddreg [dreg:$0x15]  }
0x8e: {  	[tilespmem:s12], [sflag:$0x1] =	stream.indirect_vreg.gather [hbm4b:s6+s2], $0x80, v3, vm0, $0xb8;
	[tilespmem:$0x14080] =	vst v63  }
0x8f: {  	_ =	swait.ge [sflag:s10], $0x14000  }
0x90: {  	[sflag:s10] =	ssyncset.done $0x0  }
0x91: {  	s12 =	rddreg [dreg:$0x3];
	[sflag:s10] =	ssyncadd.s32 $0xFFFEC000  }
0x92: {  	[hbm4b:s12+s2] =	stream.linear.scatter [tilespmem:s0], [sflag:$0x2], $0x14000, $0x38;
	[tilespmem:$0x14080] =	vst v63  }
0x93: {  	_ =	swait.ge [sflag:s8], $0x14000  }
0x94: {  	[sflag:s8] =	ssyncset.done $0x0  }
0x95: {  	s12 =	rddreg [dreg:$0x4];
	[sflag:s8] =	ssyncadd.s32 $0xFFFEC000  }
0x96: {  	[tilespmem:s2], [sflag:$0x2] =	stream.linear.gather [hbm4b:s12+s2], $0x30, $0x38;
	[tilespmem:$0x14080] =	vst v63  }
0x97: {  	_ =	swait.ge [sflag:s8], $0x30  }
0x98: {  	[sflag:s8] =	ssyncset.done $0x0  }
0x99: {  	[sflag:s8] =	ssyncadd.s32 $0xFFFFFFD0  }
0x9a: {  	v3 =	vld [tilespmem:$0x0];
	_ =	sdelay $0x4  }
0x9b: {  	v61 =	vshll.u32 v3, $0x3  }
0x9c: {  	v3 =	vand.u32 $0x7, v3;
	v4 =	vand.u32 $0xFFFFFFC0, v61  }
0x9d: {  	v3 =	vor.u32 v3, v4  }
0x9e: {  	v4 =	vperm.xlane v3, v0;
	_ =	sdelay $0x1  }
0x9f: {  	v4 =	vadd.s32 v1, v4;
	_ =	sdelay $0x4  }
0xa0: {  	[tilespmem:s0], [sflag:$0x1] =	stream.indirect_vreg.gather [hbm4b:s3+s2], $0x80, v4, vm0, $0xb8;
	[tilespmem:$0x14080] =	vst v63  }
0xa1: {  	v3 =	vperm.xlane v3, v2  }
0xa2: {  	[tilespmem:s13], [sflag:$0x1] =	stream.indirect_vreg.gather [hbm4b:s4+s2], $0x80, v4, vm0, $0xb8;
	[tilespmem:$0x14080] =	vst v63  }
0xa3: {  	v3 =	vadd.s32 v1, v3  }
0xa4: {  	[tilespmem:s14], [sflag:$0x1] =	stream.indirect_vreg.gather [hbm4b:s5+s2], $0x80, v4, vm0, $0xb8;
	[tilespmem:$0x14080] =	vst v63  }
0xa5: {  	_ = 	snop  }
0xa6: {  	[tilespmem:s15], [sflag:$0x1] =	stream.indirect_vreg.gather [hbm4b:s6+s2], $0x80, v4, vm0, $0xb8;
	[tilespmem:$0x14080] =	vst v63  }
0xa7: {  	_ = 	snop  }
0xa8: {  	[tilespmem:s16], [sflag:$0x1] =	stream.indirect_vreg.gather [hbm4b:s3+s2], $0x80, v3, vm0, $0xb8;
	[tilespmem:$0x14080] =	vst v63  }
0xa9: {  	_ = 	snop  }
0xaa: {  	[tilespmem:s17], [sflag:$0x1] =	stream.indirect_vreg.gather [hbm4b:s4+s2], $0x80, v3, vm0, $0xb8;
	[tilespmem:$0x14080] =	vst v63  }
0xab: {  	_ = 	snop  }
0xac: {  	[tilespmem:s18], [sflag:$0x1] =	stream.indirect_vreg.gather [hbm4b:s5+s2], $0x80, v3, vm0, $0xb8;
	[tilespmem:$0x14080] =	vst v63  }
0xad: {  	_ = 	snop  }
0xae: {  	[tilespmem:s19], [sflag:$0x1] =	stream.indirect_vreg.gather [hbm4b:s6+s2], $0x80, v3, vm0, $0xb8;
	[tilespmem:$0x14080] =	vst v63  }
0xaf: {  	v3 =	vld [tilespmem:$0x10];
	_ =	sdelay $0x4  }
0xb0: {  	v62 =	vshll.u32 v3, $0x3  }
0xb1: {  	v3 =	vand.u32 $0x7, v3;
	v4 =	vand.u32 $0xFFFFFFC0, v62  }
0xb2: {  	v3 =	vor.u32 v3, v4  }
0xb3: {  	v4 =	vperm.xlane v3, v0;
	_ =	sdelay $0x1  }
0xb4: {  	v4 =	vadd.s32 v1, v4;
	_ =	sdelay $0x4  }
0xb5: {  	[tilespmem:s20], [sflag:$0x1] =	stream.indirect_vreg.gather [hbm4b:s3+s2], $0x80, v4, vm0, $0xb8;
	[tilespmem:$0x14080] =	vst v63  }
0xb6: {  	v3 =	vperm.xlane v3, v2  }
0xb7: {  	[tilespmem:s21], [sflag:$0x1] =	stream.indirect_vreg.gather [hbm4b:s4+s2], $0x80, v4, vm0, $0xb8;
	[tilespmem:$0x14080] =	vst v63  }
0xb8: {  	v3 =	vadd.s32 v1, v3  }
0xb9: {  	[tilespmem:s22], [sflag:$0x1] =	stream.indirect_vreg.gather [hbm4b:s5+s2], $0x80, v4, vm0, $0xb8;
	[tilespmem:$0x14080] =	vst v63  }
0xba: {  	_ = 	snop  }
0xbb: {  	[tilespmem:s23], [sflag:$0x1] =	stream.indirect_vreg.gather [hbm4b:s6+s2], $0x80, v4, vm0, $0xb8;
	[tilespmem:$0x14080] =	vst v63  }
0xbc: {  	_ = 	snop  }
0xbd: {  	[tilespmem:s24], [sflag:$0x1] =	stream.indirect_vreg.gather [hbm4b:s3+s2], $0x80, v3, vm0, $0xb8;
	[tilespmem:$0x14080] =	vst v63  }
0xbe: {  	_ = 	snop  }
0xbf: {  	[tilespmem:s25], [sflag:$0x1] =	stream.indirect_vreg.gather [hbm4b:s4+s2], $0x80, v3, vm0, $0xb8;
	[tilespmem:$0x14080] =	vst v63  }
0xc0: {  	_ = 	snop  }
0xc1: {  	[tilespmem:s26], [sflag:$0x1] =	stream.indirect_vreg.gather [hbm4b:s5+s2], $0x80, v3, vm0, $0xb8;
	[tilespmem:$0x14080] =	vst v63  }
0xc2: {  	_ = 	snop  }
0xc3: {  	[tilespmem:s28], [sflag:$0x1] =	stream.indirect_vreg.gather [hbm4b:s6+s2], $0x80, v3, vm0, $0xb8;
	[tilespmem:$0x14080] =	vst v63  }
0xc4: {  	v3 =	vld [tilespmem:$0x20];
	_ =	sdelay $0x4  }
0xc5: {  	v63 =	vshll.u32 v3, $0x3  }
0xc6: {  	v3 =	vand.u32 $0x7, v3;
	v4 =	vand.u32 $0xFFFFFFC0, v63  }
0xc7: {  	v3 =	vor.u32 v3, v4  }
0xc8: {  	v4 =	vperm.xlane v3, v0;
	_ =	sdelay $0x1  }
0xc9: {  	v4 =	vadd.s32 v1, v4;
	_ =	sdelay $0x4  }
0xca: {  	[tilespmem:s29], [sflag:$0x1] =	stream.indirect_vreg.gather [hbm4b:s3+s2], $0x80, v4, vm0, $0xb8;
	[tilespmem:$0x14080] =	vst v63  }
0xcb: {  	v3 =	vperm.xlane v3, v2  }
0xcc: {  	[tilespmem:s30], [sflag:$0x1] =	stream.indirect_vreg.gather [hbm4b:s4+s2], $0x80, v4, vm0, $0xb8;
	[tilespmem:$0x14080] =	vst v63  }
0xcd: {  	v3 =	vadd.s32 v1, v3  }
0xce: {  	[tilespmem:s31], [sflag:$0x1] =	stream.indirect_vreg.gather [hbm4b:s5+s2], $0x80, v4, vm0, $0xb8;
	[tilespmem:$0x14080] =	vst v63  }
0xcf: {  	s12 =	simm.s32 $0x9880  }
0xd0: {  	[tilespmem:s12], [sflag:$0x1] =	stream.indirect_vreg.gather [hbm4b:s6+s2], $0x80, v4, vm0, $0xb8;
	[tilespmem:$0x14080] =	vst v63  }
0xd1: {  	_ = 	snop  }
0xd2: {  	[tilespmem:s1], [sflag:$0x1] =	stream.indirect_vreg.gather [hbm4b:s3+s2], $0x80, v3, vm0, $0xb8;
	[tilespmem:$0x14080] =	vst v63  }
0xd3: {  	_ = 	snop  }
0xd4: {  	[tilespmem:s9], [sflag:$0x1] =	stream.indirect_vreg.gather [hbm4b:s4+s2], $0x80, v3, vm0, $0xb8;
	[tilespmem:$0x14080] =	vst v63  }
0xd5: {  	s12 =	simm.s32 $0xB080  }
0xd6: {  	[tilespmem:s12], [sflag:$0x1] =	stream.indirect_vreg.gather [hbm4b:s5+s2], $0x80, v3, vm0, $0xb8;
	[tilespmem:$0x14080] =	vst v63  }
0xd7: {  	s11 =	simm.s32 $0xB880  }
0xd8: {  	[tilespmem:s11], [sflag:$0x1] =	stream.indirect_vreg.gather [hbm4b:s6+s2], $0x80, v3, vm0, $0xb8;
	[tilespmem:$0x14080] =	vst v63  }
0xd9: {  	_ =	swait.ge [sflag:s10], $0xC000  }
0xda: {  	p0 =	sne.s32 s7, $0x1;
	[sflag:s10] =	ssyncset.done $0x0  }
.Ltmp0:
0xdb: {  	s12 =	rddreg [dreg:$0x5];
	[sflag:s10] =	ssyncadd.s32 $0xFFFF4000;
	(pc) =	sbr.rel @p0 .LBB2_1-.Ltmp0, $4  }
0xdc: {  	[hbm4b:s12+s2] =	stream.linear.scatter [tilespmem:s0], [sflag:$0x2], $0xC000, $0x38;
	[tilespmem:$0x14080] =	vst v63  }
0xdd: {  	_ =	swait.ge [sflag:s8], $0xC000  }
0xde: {  	[sflag:s8] =	ssyncset.done $0x0  }
0xdf: {  	s7 =	sadd.s32 $0xFFFFFFFF, s7;
	[sflag:s8] =	ssyncadd.s32 $0xFFFF4000  }
0xe0: {  	_ =	sfence.sel $0x180000  }
0xe1: {  	[bflag:$0x0] =	sbarrier.arrive $0xFFFF  }
0xe2: {  	_ =	strace $0x9000004A  }
0xe3: {  	s0 =	stileid.u32;
	[bflag:$0x2] =	sbarrier.arrive $0xFFFF  }
0xe4: {  	p0 =	sne.s32 s0, $0x0;
	s0 =	rddreg [dreg:$0x1]  }
0xe5: {  	s0 =	sadd.s32 @!p0 $0x100000, s0  }
0xe6: {  	[sflag:s0] =	ssyncadd.tile.s32 @!p0 $0x1;
	_ =	shalt  }
.Lfunc_end2:
_tile_overlayer_lowered:
.L_overlay_start_2:
0xe7: {  	(tag) =	ssettag $0x2  }
0xe8: {  	s0 =	rddreg [dreg:$0x0];
	s2 =	stileid.u32  }
0xe9: {  	s1 =	rddreg [dreg:$0x1];
	p0 =	sne.s32 s2, $0x0  }
0xea: {  	s3 =	rddreg [dreg:$0x2];
	[bflag:$0x3] =	sbarrier.arrive $0xFFFF;
	s2 =	simm.s32 @!p0 $0x1C02  }
0xeb: {  	[timem:s3], [sflag:s2] =	dma.local @!p0 [hbm:s0], s1  }
0xec: {  	s0 =	simm.s32 @!p0 $0x2  }
0xed: {  	_ =	swait.ge @!p0 [sflag:s0], s1  }
0xee: {  	s1 =	ssub.s32 @!p0 $0x0, s1;
	[sflag:s0] =	ssyncset.done @!p0 $0x0  }
0xef: {  	[sflag:s0] =	ssyncadd.s32 @!p0 s1  }
0xf0: {  	[bflag:$0x3] =	sbarrier.arrive $0xFFFF  }
0xf1: {  	_ =	shalt  }

</sc_bundles>
